<compile_context>
chip_gen: v7x
topology: tpu7x:2x2x1
jax: 0.10.2.dev20260603
libtpu: 0.0.44.dev20260713+nightly
codegen_flags: <defaults>
</compile_context>

<pallas_src>
import functools

import jax
import jax.numpy as jnp
from jax import lax
from jax.experimental import pallas as pl
from jax.experimental.pallas import tpu as pltpu
from jax.experimental.pallas import tpu_sc as plsc

_B, _C, _H, _W = 32, 768, 32, 32
_NW = 32
_SLAB = _W * _C
_XROW = _H * _SLAB
_LANES = 16

_SPLIT = 1
_CH = _SLAB // _SPLIT
_NCHUNK = _B * _SPLIT
_NBUF = 4
_PF = 3


def _pos_body(row_hbm, col_hbm, pos_hbm, rowv, colv, posv, sem):
    pltpu.async_copy(row_hbm, rowv, sem)
    pltpu.async_copy(col_hbm, colv, sem)
    pltpu.make_async_copy(row_hbm, rowv, sem).wait()
    pltpu.make_async_copy(col_hbm, colv, sem).wait()
    posv[...] = rowv[...][:, None, :] + colv[...][None, :, :]
    pltpu.async_copy(posv, pos_hbm, sem).wait()


_pos_call = pl.pallas_call(
    _pos_body,
    in_specs=[
        pl.BlockSpec(memory_space=pltpu.MemorySpace.HBM),
        pl.BlockSpec(memory_space=pltpu.MemorySpace.HBM),
    ],
    out_specs=pl.BlockSpec(memory_space=pltpu.MemorySpace.HBM),
    out_shape=jax.ShapeDtypeStruct((_H, _W, _C), jnp.float32),
    scratch_shapes=[
        pltpu.VMEM((_H, _C), jnp.float32),
        pltpu.VMEM((_W, _C), jnp.float32),
        pltpu.VMEM((_H, _W, _C), jnp.float32),
        pltpu.SemaphoreType.DMA,
    ],
)


def _chunk_off(c, base):
    return (c // _SPLIT) * _XROW + base + (c % _SPLIT) * _CH


def _sc_add(x_hbm, pos_hbm, out_hbm, *scratch):
    posbuf = scratch[0]
    xbufs = scratch[1:1 + _NBUF]
    isems = scratch[1 + _NBUF:1 + 2 * _NBUF]
    osems = scratch[1 + 2 * _NBUF:1 + 3 * _NBUF]

    wid = lax.axis_index("s") * 2 + lax.axis_index("c")
    base = wid * _SLAB

    pltpu.sync_copy(pos_hbm.at[pl.ds(base, _SLAB)], posbuf)

    for i in range(_PF):
        pltpu.async_copy(x_hbm.at[pl.ds(_chunk_off(i, base), _CH)], xbufs[i],
                         isems[i])

    def step(g, carry):
        for i in range(_NBUF):
            c = g * _NBUF + i
            xbuf, isem, osem = xbufs[i], isems[i], osems[i]
            jp = (i + _PF) % _NBUF

            pltpu.make_async_copy(x_hbm.at[pl.ds(0, _CH)], xbuf, isem).wait()

            pbase = (c % _SPLIT) * _CH

            @plsc.parallel_loop(0, _CH, _LANES, unroll=8)
            def jbody(j):
                plsc.addupdate(xbuf.at[pl.ds(j, _LANES)],
                               posbuf[pl.ds(pbase + j, _LANES)])

            pltpu.async_copy(xbuf, out_hbm.at[pl.ds(_chunk_off(c, base), _CH)],
                             osem)

            @pl.when(c + _PF < _NCHUNK)
            def _next_in():
                @pl.when(c + _PF >= _NBUF)
                def _wait_prev_out():
                    pltpu.make_async_copy(
                        xbufs[jp], out_hbm.at[pl.ds(0, _CH)],
                        osems[jp]).wait()

                pltpu.async_copy(
                    x_hbm.at[pl.ds(_chunk_off(c + _PF, base), _CH)],
                    xbufs[jp], isems[jp])
        return carry

    lax.fori_loop(0, _NCHUNK // _NBUF, step, 0)

    for i in range(_NBUF):
        pltpu.make_async_copy(xbufs[i], out_hbm.at[pl.ds(0, _CH)],
                              osems[i]).wait()


_sc_call = functools.partial(
    pl.kernel,
    out_type=jax.ShapeDtypeStruct((_B * _XROW,), jnp.float32),
    mesh=plsc.VectorSubcoreMesh(core_axis_name="c", subcore_axis_name="s"),
    compiler_params=pltpu.CompilerParams(
        disable_bounds_checks=True,
        disable_semaphore_checks=True,
    ),
    scratch_types=(
        [pltpu.VMEM((_SLAB,), jnp.float32)]
        + [pltpu.VMEM((_CH,), jnp.float32)] * _NBUF
        + [pltpu.SemaphoreType.DMA] * (2 * _NBUF)
    ),
)(_sc_add)


def kernel(x, row_embed, col_embed):
    pos = _pos_call(row_embed, col_embed)

    xf = (
        x.transpose(0, 2, 3, 1)
        .reshape(_B, _H, _W // 8, 8, _C // 128, 128)
        .transpose(0, 1, 2, 4, 3, 5)
        .reshape(-1)
    )
    posf = (
        pos.reshape(_H, _W // 8, 8, _C // 128, 128)
        .transpose(0, 1, 3, 2, 4)
        .reshape(-1)
    )

    outf = _sc_call(xf, posf)

    out = (
        outf.reshape(_B, _H, _W // 8, _C // 128, 8, 128)
        .transpose(0, 1, 2, 4, 3, 5)
        .reshape(_B, _H, _W, _C)
        .transpose(0, 3, 1, 2)
    )
    return out

# --- scband reference (transcript-rebuilt; emitter-appended) ---
"""Pipeline reference for scband-position-embedding2-dlearned-2911987826792 (READ-ONLY COPY).

The authoritative reference and input builder live on the scoring server;
editing this copy changes nothing except your own understanding.
"""

import jax, jax.numpy as jnp
import numpy as np

B, C, H, W = 32, 768, 32, 32
N_ROW, N_COL, FEATS_DIM = 32, 32, 768

def setup_inputs(seed: int = 0) -> dict:
    key = jax.random.key(seed)
    k1, k2, k3 = jax.random.split(key, 3)
    x = jax.random.normal(k1, (B, C, H, W), dtype=jnp.float32)
    # trunc_normal_ approximated by clipped standard normal (std=1, trunc at +/-2)
    row_embed = jnp.clip(jax.random.normal(k2, (N_ROW, FEATS_DIM), dtype=jnp.float32), -2.0, 2.0)
    col_embed = jnp.clip(jax.random.normal(k3, (N_COL, FEATS_DIM), dtype=jnp.float32), -2.0, 2.0)
    return {"x": x, "row_embed": row_embed, "col_embed": col_embed}

def reference(x, row_embed, col_embed):
    h, w = x.shape[-2], x.shape[-1]
    i = jnp.arange(w)
    j = jnp.arange(h)
    # embedding lookups (gather)
    x_emb = jnp.take(col_embed, i, axis=0)              # (w, d)
    y_emb = jnp.take(row_embed, j, axis=0)              # (h, d)
    x_emb_b = jnp.broadcast_to(x_emb[None, :, :], (h, w, x_emb.shape[-1]))
    y_emb_b = jnp.broadcast_to(y_emb[:, None, :], (h, w, y_emb.shape[-1]))
    pos = jnp.transpose(x_emb_b + y_emb_b, (2, 0, 1))   # (d, h, w)
    pos = jnp.broadcast_to(pos[None, :, :, :], (x.shape[0], pos.shape[0], h, w))
    return x + pos

if __name__ == "__main__":
    import jax
    _d = setup_inputs()
    print(jax.jit(kernel)(*tuple(_d.values())))

</pallas_src>

<mosaic_0001>
#map = affine_map<(d0, d1) -> (0)>
module attributes {stable_mosaic.version = 14 : i64} {
  func.func @_sc_add(%arg0: i32, %arg1: i32, %arg2: memref<25165824xf32, #tpu.memory_space<hbm>>, %arg3: memref<786432xf32, #tpu.memory_space<hbm>>, %arg4: memref<25165824xf32, #tpu.memory_space<hbm>>, %arg5: memref<24576xf32, #tpu.memory_space<vmem>>, %arg6: memref<24576xf32, #tpu.memory_space<vmem>>, %arg7: memref<24576xf32, #tpu.memory_space<vmem>>, %arg8: memref<24576xf32, #tpu.memory_space<vmem>>, %arg9: memref<24576xf32, #tpu.memory_space<vmem>>, %arg10: memref<!tpu.dma_semaphore, #tpu.memory_space<semaphore_mem>>, %arg11: memref<!tpu.dma_semaphore, #tpu.memory_space<semaphore_mem>>, %arg12: memref<!tpu.dma_semaphore, #tpu.memory_space<semaphore_mem>>, %arg13: memref<!tpu.dma_semaphore, #tpu.memory_space<semaphore_mem>>, %arg14: memref<!tpu.dma_semaphore, #tpu.memory_space<semaphore_mem>>, %arg15: memref<!tpu.dma_semaphore, #tpu.memory_space<semaphore_mem>>, %arg16: memref<!tpu.dma_semaphore, #tpu.memory_space<semaphore_mem>>, %arg17: memref<!tpu.dma_semaphore, #tpu.memory_space<semaphore_mem>>) attributes {dimension_semantics = [#tpu.dimension_semantics<core_parallel>, #tpu.dimension_semantics<subcore_parallel>], iteration_bounds = array<i64: 2, 16>, scalar_prefetch = 0 : i64, scratch_operands = 13 : i64, tpu.core_type = #tpu.core_type<sc_vector_subcore>, window_params = [{transform_indices = #map}, {transform_indices = #map}, {transform_indices = #map}]} {
    %mul3A = arith.constant 2 : i32
    %mul3A_0 = arith.muli %arg1, %mul3A : i32
    %add3A = arith.addi %mul3A_0, %arg0 : i32
    %mul3A_1 = arith.constant 24576 : i32
    %mul3A_2 = arith.muli %add3A, %mul3A_1 : i32
    "tpu.region"() ({
      %run_scoped3A = tpu.sem_alloc : memref<!tpu.dma_semaphore, #tpu.memory_space<semaphore_mem>>
      %dma_start3A_40 = tpu.memref_slice %arg3[%mul3A_2] : memref<786432xf32, #tpu.memory_space<hbm>> -> memref<24576xf32, #tpu.memory_space<hbm>>
      %dma_start3A_41 = tpu.memref_slice %arg3[%mul3A_2] : memref<786432xf32, #tpu.memory_space<hbm>> -> memref<24576xf32, #tpu.memory_space<hbm>>
      tpu.enqueue_dma source(%dma_start3A_41 : memref<24576xf32, #tpu.memory_space<hbm>>) target(%arg5 : memref<24576xf32, #tpu.memory_space<vmem>>) target_semaphore(%run_scoped3A : memref<!tpu.dma_semaphore, #tpu.memory_space<semaphore_mem>>)
      %dma_wait3A_42 = tpu.memref_slice %arg3[%mul3A_2] : memref<786432xf32, #tpu.memory_space<hbm>> -> memref<24576xf32, #tpu.memory_space<hbm>>
      %dma_wait3A_43 = tpu.memref_slice %arg3[%mul3A_2] : memref<786432xf32, #tpu.memory_space<hbm>> -> memref<24576xf32, #tpu.memory_space<hbm>>
      tpu.wait_dma2 semaphore(%run_scoped3A : memref<!tpu.dma_semaphore, #tpu.memory_space<semaphore_mem>>) src(%dma_wait3A_43 : memref<24576xf32, #tpu.memory_space<hbm>>) dst(%arg5 : memref<24576xf32, #tpu.memory_space<vmem>>)
      tpu.yield
    }) : () -> ()
    %add3A_3 = arith.constant 0 : i32
    %add3A_4 = arith.addi %add3A_3, %mul3A_2 : i32
    %add3A_5 = arith.constant 0 : i32
    %add3A_6 = arith.addi %add3A_4, %add3A_5 : i32
    %dma_start3A = tpu.memref_slice %arg2[%add3A_6] : memref<25165824xf32, #tpu.memory_space<hbm>> -> memref<24576xf32, #tpu.memory_space<hbm>>
    %dma_start3A_7 = tpu.memref_slice %arg2[%add3A_6] : memref<25165824xf32, #tpu.memory_space<hbm>> -> memref<24576xf32, #tpu.memory_space<hbm>>
    tpu.enqueue_dma source(%dma_start3A_7 : memref<24576xf32, #tpu.memory_space<hbm>>) target(%arg6 : memref<24576xf32, #tpu.memory_space<vmem>>) target_semaphore(%arg10 : memref<!tpu.dma_semaphore, #tpu.memory_space<semaphore_mem>>)
    %add3A_8 = arith.constant 786432 : i32
    %add3A_9 = arith.addi %add3A_8, %mul3A_2 : i32
    %add3A_10 = arith.constant 0 : i32
    %add3A_11 = arith.addi %add3A_9, %add3A_10 : i32
    %dma_start3A_12 = tpu.memref_slice %arg2[%add3A_11] : memref<25165824xf32, #tpu.memory_space<hbm>> -> memref<24576xf32, #tpu.memory_space<hbm>>
    %dma_start3A_13 = tpu.memref_slice %arg2[%add3A_11] : memref<25165824xf32, #tpu.memory_space<hbm>> -> memref<24576xf32, #tpu.memory_space<hbm>>
    tpu.enqueue_dma source(%dma_start3A_13 : memref<24576xf32, #tpu.memory_space<hbm>>) target(%arg7 : memref<24576xf32, #tpu.memory_space<vmem>>) target_semaphore(%arg11 : memref<!tpu.dma_semaphore, #tpu.memory_space<semaphore_mem>>)
    %add3A_14 = arith.constant 1572864 : i32
    %add3A_15 = arith.addi %add3A_14, %mul3A_2 : i32
    %add3A_16 = arith.constant 0 : i32
    %add3A_17 = arith.addi %add3A_15, %add3A_16 : i32
    %dma_start3A_18 = tpu.memref_slice %arg2[%add3A_17] : memref<25165824xf32, #tpu.memory_space<hbm>> -> memref<24576xf32, #tpu.memory_space<hbm>>
    %dma_start3A_19 = tpu.memref_slice %arg2[%add3A_17] : memref<25165824xf32, #tpu.memory_space<hbm>> -> memref<24576xf32, #tpu.memory_space<hbm>>
    tpu.enqueue_dma source(%dma_start3A_19 : memref<24576xf32, #tpu.memory_space<hbm>>) target(%arg8 : memref<24576xf32, #tpu.memory_space<vmem>>) target_semaphore(%arg12 : memref<!tpu.dma_semaphore, #tpu.memory_space<semaphore_mem>>)
    %scan3A = arith.constant 0 : i32
    %scan3A_20 = arith.constant 0 : i32
    %scan3A_21 = arith.constant 8 : i32
    %scan3A_22 = arith.addi %scan3A_20, %scan3A_21 : i32
    %scan3A_23 = arith.constant 1 : i32
    scf.for %scan3A_40 = %scan3A_20 to %scan3A_22 step %scan3A_23  : i32 {
      %mul3A_41 = arith.constant 4 : i32
      %mul3A_42 = arith.muli %scan3A_40, %mul3A_41 : i32
      %add3A_43 = arith.constant 0 : i32
      %add3A_44 = arith.addi %mul3A_42, %add3A_43 : i32
      %dma_wait3A_45 = arith.constant 0 : i32
      %dma_wait3A_46 = tpu.memref_slice %arg2[%dma_wait3A_45] : memref<25165824xf32, #tpu.memory_space<hbm>> -> memref<24576xf32, #tpu.memory_space<hbm>>
      %dma_wait3A_47 = arith.constant 0 : i32
      %dma_wait3A_48 = tpu.memref_slice %arg2[%dma_wait3A_47] : memref<25165824xf32, #tpu.memory_space<hbm>> -> memref<24576xf32, #tpu.memory_space<hbm>>
      tpu.wait_dma2 semaphore(%arg10 : memref<!tpu.dma_semaphore, #tpu.memory_space<semaphore_mem>>) src(%dma_wait3A_48 : memref<24576xf32, #tpu.memory_space<hbm>>) dst(%arg6 : memref<24576xf32, #tpu.memory_space<vmem>>)
      %jit3A = arith.constant 1 : i32
      %eq3A = arith.constant 0 : i32
      %eq3A_49 = arith.cmpi eq, %jit3A, %eq3A : i32
      %jit3A_50 = arith.constant 1 : i32
      %select_n3A = arith.select %eq3A_49, %jit3A_50, %jit3A : i32
      %rem3A = arith.remsi %add3A_44, %select_n3A : i32
      %ne3A = arith.constant 0 : i32
      %ne3A_51 = arith.cmpi ne, %rem3A, %ne3A : i32
      %lt3A = arith.constant 0 : i32
      %lt3A_52 = arith.cmpi slt, %rem3A, %lt3A : i32
      %lt3A_53 = arith.constant 0 : i32
      %lt3A_54 = arith.cmpi slt, %select_n3A, %lt3A_53 : i32
      %ne3A_55 = arith.xori %lt3A_52, %lt3A_54 : i1
      %and3A = arith.andi %ne3A_55, %ne3A_51 : i1
      %add3A_56 = arith.addi %rem3A, %select_n3A : i32
      %select_n3A_57 = arith.select %and3A, %add3A_56, %rem3A : i32
      %mul3A_58 = arith.constant 24576 : i32
      %mul3A_59 = arith.muli %select_n3A_57, %mul3A_58 : i32
      %parallel_loop3A = arith.constant 0 : i32
      %parallel_loop3A_60 = arith.constant 24576 : i32
      %parallel_loop3A_61 = arith.constant 16 : i32
      scf.for %parallel_loop3A_364 = %parallel_loop3A to %parallel_loop3A_60 step %parallel_loop3A_61  : i32 {
        %parallel_loop3A_365 = arith.addi %mul3A_59, %parallel_loop3A_364 : i32
        %parallel_loop3A_366 = arith.index_cast %parallel_loop3A_365 : i32 to index
        %parallel_loop3A_367 = tpu.vector_load %arg5[%parallel_loop3A_366] {strides = array<i32>} : memref<24576xf32, #tpu.memory_space<vmem>>, vector<16xf32>,
        %parallel_loop3A_368 = vector.shape_cast %parallel_loop3A_367 : vector<16xf32> to vector<16xf32>
        %parallel_loop3A_369 = arith.index_cast %parallel_loop3A_364 : i32 to index
        %parallel_loop3A_370 = tpu.vector_load %arg6[%parallel_loop3A_369] {strides = array<i32>} : memref<24576xf32, #tpu.memory_space<vmem>>, vector<16xf32>,
        %parallel_loop3A_371 = vector.shape_cast %parallel_loop3A_370 : vector<16xf32> to vector<16xf32>
        %parallel_loop3A_372 = vector.shape_cast %parallel_loop3A_368 : vector<16xf32> to vector<16xf32>
        tpu.vector_store %arg6[%parallel_loop3A_369], %parallel_loop3A_372 {add = true, strides = array<i32>} : memref<24576xf32, #tpu.memory_space<vmem>>, vector<16xf32>,
      } {sc.loop_unroll_factor = 8 : i64, sc.parallel_access}
      %jit3A_62 = arith.constant 1 : i32
      %div3A = arith.divsi %add3A_44, %jit3A_62 : i32
      %sign3A = arith.constant 0 : i32
      %sign3A_63 = arith.cmpi sgt, %add3A_44, %sign3A : i32
      %sign3A_64 = arith.extui %sign3A_63 : i1 to i32
      %sign3A_65 = arith.constant 0 : i32
      %sign3A_66 = arith.cmpi slt, %add3A_44, %sign3A_65 : i32
      %sign3A_67 = arith.extui %sign3A_66 : i1 to i32
      %sign3A_68 = arith.subi %sign3A_64, %sign3A_67 : i32
      %sign3A_69 = arith.constant 0 : i32
      %sign3A_70 = arith.cmpi sgt, %jit3A_62, %sign3A_69 : i32
      %sign3A_71 = arith.extui %sign3A_70 : i1 to i32
      %sign3A_72 = arith.constant 0 : i32
      %sign3A_73 = arith.cmpi slt, %jit3A_62, %sign3A_72 : i32
      %sign3A_74 = arith.extui %sign3A_73 : i1 to i32
      %sign3A_75 = arith.subi %sign3A_71, %sign3A_74 : i32
      %ne3A_76 = arith.cmpi ne, %sign3A_68, %sign3A_75 : i32
      %rem3A_77 = arith.remsi %add3A_44, %jit3A_62 : i32
      %ne3A_78 = arith.constant 0 : i32
      %ne3A_79 = arith.cmpi ne, %rem3A_77, %ne3A_78 : i32
      %and3A_80 = arith.andi %ne3A_76, %ne3A_79 : i1
      %sub3A = arith.constant 1 : i32
      %sub3A_81 = arith.subi %div3A, %sub3A : i32
      %select_n3A_82 = arith.select %and3A_80, %sub3A_81, %div3A : i32
      %mul3A_83 = arith.constant 786432 : i32
      %mul3A_84 = arith.muli %select_n3A_82, %mul3A_83 : i32
      %add3A_85 = arith.addi %mul3A_84, %mul3A_2 : i32
      %jit3A_86 = arith.constant 1 : i32
      %eq3A_87 = arith.constant 0 : i32
      %eq3A_88 = arith.cmpi eq, %jit3A_86, %eq3A_87 : i32
      %jit3A_89 = arith.constant 1 : i32
      %select_n3A_90 = arith.select %eq3A_88, %jit3A_89, %jit3A_86 : i32
      %rem3A_91 = arith.remsi %add3A_44, %select_n3A_90 : i32
      %ne3A_92 = arith.constant 0 : i32
      %ne3A_93 = arith.cmpi ne, %rem3A_91, %ne3A_92 : i32
      %lt3A_94 = arith.constant 0 : i32
      %lt3A_95 = arith.cmpi slt, %rem3A_91, %lt3A_94 : i32
      %lt3A_96 = arith.constant 0 : i32
      %lt3A_97 = arith.cmpi slt, %select_n3A_90, %lt3A_96 : i32
      %ne3A_98 = arith.xori %lt3A_95, %lt3A_97 : i1
      %and3A_99 = arith.andi %ne3A_98, %ne3A_93 : i1
      %add3A_100 = arith.addi %rem3A_91, %select_n3A_90 : i32
      %select_n3A_101 = arith.select %and3A_99, %add3A_100, %rem3A_91 : i32
      %mul3A_102 = arith.constant 24576 : i32
      %mul3A_103 = arith.muli %select_n3A_101, %mul3A_102 : i32
      %add3A_104 = arith.addi %add3A_85, %mul3A_103 : i32
      %dma_start3A_105 = tpu.memref_slice %arg4[%add3A_104] : memref<25165824xf32, #tpu.memory_space<hbm>> -> memref<24576xf32, #tpu.memory_space<hbm>>
      %dma_start3A_106 = tpu.memref_slice %arg4[%add3A_104] : memref<25165824xf32, #tpu.memory_space<hbm>> -> memref<24576xf32, #tpu.memory_space<hbm>>
      tpu.enqueue_dma source(%arg6 : memref<24576xf32, #tpu.memory_space<vmem>>) target(%dma_start3A_106 : memref<24576xf32, #tpu.memory_space<hbm>>) target_semaphore(%arg14 : memref<!tpu.dma_semaphore, #tpu.memory_space<semaphore_mem>>)
      %add3A_107 = arith.constant 3 : i32
      %add3A_108 = arith.addi %add3A_44, %add3A_107 : i32
      %lt3A_109 = arith.constant 32 : i32
      %lt3A_110 = arith.cmpi slt, %add3A_108, %lt3A_109 : i32
      %convert_element_type3A = arith.extui %lt3A_110 : i1 to i32
      %cond3A = arith.constant 0 : i32
      %cond3A_111 = arith.cmpi ne, %convert_element_type3A, %cond3A : i32
      scf.if %cond3A_111 {
        %add3A_364 = arith.constant 3 : i32
        %add3A_365 = arith.addi %add3A_44, %add3A_364 : i32
        %ge3A = arith.constant 4 : i32
        %ge3A_366 = arith.cmpi sge, %add3A_365, %ge3A : i32
        %convert_element_type3A_367 = arith.extui %ge3A_366 : i1 to i32
        %cond3A_368 = arith.constant 0 : i32
        %cond3A_369 = arith.cmpi ne, %convert_element_type3A_367, %cond3A_368 : i32
        scf.if %cond3A_369 {
          %dma_wait3A_420 = arith.constant 0 : i32
          %dma_wait3A_421 = tpu.memref_slice %arg4[%dma_wait3A_420] : memref<25165824xf32, #tpu.memory_space<hbm>> -> memref<24576xf32, #tpu.memory_space<hbm>>
          %dma_wait3A_422 = arith.constant 0 : i32
          %dma_wait3A_423 = tpu.memref_slice %arg4[%dma_wait3A_422] : memref<25165824xf32, #tpu.memory_space<hbm>> -> memref<24576xf32, #tpu.memory_space<hbm>>
          tpu.wait_dma2 semaphore(%arg17 : memref<!tpu.dma_semaphore, #tpu.memory_space<semaphore_mem>>) src(%arg9 : memref<24576xf32, #tpu.memory_space<vmem>>) dst(%dma_wait3A_423 : memref<24576xf32, #tpu.memory_space<hbm>>)
        } else {
        }
        %add3A_370 = arith.constant 3 : i32
        %add3A_371 = arith.addi %add3A_44, %add3A_370 : i32
        %jit3A_372 = arith.constant 1 : i32
        %div3A_373 = arith.divsi %add3A_371, %jit3A_372 : i32
        %sign3A_374 = arith.constant 0 : i32
        %sign3A_375 = arith.cmpi sgt, %add3A_371, %sign3A_374 : i32
        %sign3A_376 = arith.extui %sign3A_375 : i1 to i32
        %sign3A_377 = arith.constant 0 : i32
        %sign3A_378 = arith.cmpi slt, %add3A_371, %sign3A_377 : i32
        %sign3A_379 = arith.extui %sign3A_378 : i1 to i32
        %sign3A_380 = arith.subi %sign3A_376, %sign3A_379 : i32
        %sign3A_381 = arith.constant 0 : i32
        %sign3A_382 = arith.cmpi sgt, %jit3A_372, %sign3A_381 : i32
        %sign3A_383 = arith.extui %sign3A_382 : i1 to i32
        %sign3A_384 = arith.constant 0 : i32
        %sign3A_385 = arith.cmpi slt, %jit3A_372, %sign3A_384 : i32
        %sign3A_386 = arith.extui %sign3A_385 : i1 to i32
        %sign3A_387 = arith.subi %sign3A_383, %sign3A_386 : i32
        %ne3A_388 = arith.cmpi ne, %sign3A_380, %sign3A_387 : i32
        %rem3A_389 = arith.remsi %add3A_371, %jit3A_372 : i32
        %ne3A_390 = arith.constant 0 : i32
        %ne3A_391 = arith.cmpi ne, %rem3A_389, %ne3A_390 : i32
        %and3A_392 = arith.andi %ne3A_388, %ne3A_391 : i1
        %sub3A_393 = arith.constant 1 : i32
        %sub3A_394 = arith.subi %div3A_373, %sub3A_393 : i32
        %select_n3A_395 = arith.select %and3A_392, %sub3A_394, %div3A_373 : i32
        %mul3A_396 = arith.constant 786432 : i32
        %mul3A_397 = arith.muli %select_n3A_395, %mul3A_396 : i32
        %add3A_398 = arith.addi %mul3A_397, %mul3A_2 : i32
        %jit3A_399 = arith.constant 1 : i32
        %eq3A_400 = arith.constant 0 : i32
        %eq3A_401 = arith.cmpi eq, %jit3A_399, %eq3A_400 : i32
        %jit3A_402 = arith.constant 1 : i32
        %select_n3A_403 = arith.select %eq3A_401, %jit3A_402, %jit3A_399 : i32
        %rem3A_404 = arith.remsi %add3A_371, %select_n3A_403 : i32
        %ne3A_405 = arith.constant 0 : i32
        %ne3A_406 = arith.cmpi ne, %rem3A_404, %ne3A_405 : i32
        %lt3A_407 = arith.constant 0 : i32
        %lt3A_408 = arith.cmpi slt, %rem3A_404, %lt3A_407 : i32
        %lt3A_409 = arith.constant 0 : i32
        %lt3A_410 = arith.cmpi slt, %select_n3A_403, %lt3A_409 : i32
        %ne3A_411 = arith.xori %lt3A_408, %lt3A_410 : i1
        %and3A_412 = arith.andi %ne3A_411, %ne3A_406 : i1
        %add3A_413 = arith.addi %rem3A_404, %select_n3A_403 : i32
        %select_n3A_414 = arith.select %and3A_412, %add3A_413, %rem3A_404 : i32
        %mul3A_415 = arith.constant 24576 : i32
        %mul3A_416 = arith.muli %select_n3A_414, %mul3A_415 : i32
        %add3A_417 = arith.addi %add3A_398, %mul3A_416 : i32
        %dma_start3A_418 = tpu.memref_slice %arg2[%add3A_417] : memref<25165824xf32, #tpu.memory_space<hbm>> -> memref<24576xf32, #tpu.memory_space<hbm>>
        %dma_start3A_419 = tpu.memref_slice %arg2[%add3A_417] : memref<25165824xf32, #tpu.memory_space<hbm>> -> memref<24576xf32, #tpu.memory_space<hbm>>
        tpu.enqueue_dma source(%dma_start3A_419 : memref<24576xf32, #tpu.memory_space<hbm>>) target(%arg9 : memref<24576xf32, #tpu.memory_space<vmem>>) target_semaphore(%arg13 : memref<!tpu.dma_semaphore, #tpu.memory_space<semaphore_mem>>)
      } else {
      }
      %mul3A_112 = arith.constant 4 : i32
      %mul3A_113 = arith.muli %scan3A_40, %mul3A_112 : i32
      %add3A_114 = arith.constant 1 : i32
      %add3A_115 = arith.addi %mul3A_113, %add3A_114 : i32
      %dma_wait3A_116 = arith.constant 0 : i32
      %dma_wait3A_117 = tpu.memref_slice %arg2[%dma_wait3A_116] : memref<25165824xf32, #tpu.memory_space<hbm>> -> memref<24576xf32, #tpu.memory_space<hbm>>
      %dma_wait3A_118 = arith.constant 0 : i32
      %dma_wait3A_119 = tpu.memref_slice %arg2[%dma_wait3A_118] : memref<25165824xf32, #tpu.memory_space<hbm>> -> memref<24576xf32, #tpu.memory_space<hbm>>
      tpu.wait_dma2 semaphore(%arg11 : memref<!tpu.dma_semaphore, #tpu.memory_space<semaphore_mem>>) src(%dma_wait3A_119 : memref<24576xf32, #tpu.memory_space<hbm>>) dst(%arg7 : memref<24576xf32, #tpu.memory_space<vmem>>)
      %jit3A_120 = arith.constant 1 : i32
      %eq3A_121 = arith.constant 0 : i32
      %eq3A_122 = arith.cmpi eq, %jit3A_120, %eq3A_121 : i32
      %jit3A_123 = arith.constant 1 : i32
      %select_n3A_124 = arith.select %eq3A_122, %jit3A_123, %jit3A_120 : i32
      %rem3A_125 = arith.remsi %add3A_115, %select_n3A_124 : i32
      %ne3A_126 = arith.constant 0 : i32
      %ne3A_127 = arith.cmpi ne, %rem3A_125, %ne3A_126 : i32
      %lt3A_128 = arith.constant 0 : i32
      %lt3A_129 = arith.cmpi slt, %rem3A_125, %lt3A_128 : i32
      %lt3A_130 = arith.constant 0 : i32
      %lt3A_131 = arith.cmpi slt, %select_n3A_124, %lt3A_130 : i32
      %ne3A_132 = arith.xori %lt3A_129, %lt3A_131 : i1
      %and3A_133 = arith.andi %ne3A_132, %ne3A_127 : i1
      %add3A_134 = arith.addi %rem3A_125, %select_n3A_124 : i32
      %select_n3A_135 = arith.select %and3A_133, %add3A_134, %rem3A_125 : i32
      %mul3A_136 = arith.constant 24576 : i32
      %mul3A_137 = arith.muli %select_n3A_135, %mul3A_136 : i32
      %parallel_loop3A_138 = arith.constant 0 : i32
      %parallel_loop3A_139 = arith.constant 24576 : i32
      %parallel_loop3A_140 = arith.constant 16 : i32
      scf.for %parallel_loop3A_364 = %parallel_loop3A_138 to %parallel_loop3A_139 step %parallel_loop3A_140  : i32 {
        %parallel_loop3A_365 = arith.addi %mul3A_137, %parallel_loop3A_364 : i32
        %parallel_loop3A_366 = arith.index_cast %parallel_loop3A_365 : i32 to index
        %parallel_loop3A_367 = tpu.vector_load %arg5[%parallel_loop3A_366] {strides = array<i32>} : memref<24576xf32, #tpu.memory_space<vmem>>, vector<16xf32>,
        %parallel_loop3A_368 = vector.shape_cast %parallel_loop3A_367 : vector<16xf32> to vector<16xf32>
        %parallel_loop3A_369 = arith.index_cast %parallel_loop3A_364 : i32 to index
        %parallel_loop3A_370 = tpu.vector_load %arg7[%parallel_loop3A_369] {strides = array<i32>} : memref<24576xf32, #tpu.memory_space<vmem>>, vector<16xf32>,
        %parallel_loop3A_371 = vector.shape_cast %parallel_loop3A_370 : vector<16xf32> to vector<16xf32>
        %parallel_loop3A_372 = vector.shape_cast %parallel_loop3A_368 : vector<16xf32> to vector<16xf32>
        tpu.vector_store %arg7[%parallel_loop3A_369], %parallel_loop3A_372 {add = true, strides = array<i32>} : memref<24576xf32, #tpu.memory_space<vmem>>, vector<16xf32>,
      } {sc.loop_unroll_factor = 8 : i64, sc.parallel_access}
      %jit3A_141 = arith.constant 1 : i32
      %div3A_142 = arith.divsi %add3A_115, %jit3A_141 : i32
      %sign3A_143 = arith.constant 0 : i32
      %sign3A_144 = arith.cmpi sgt, %add3A_115, %sign3A_143 : i32
      %sign3A_145 = arith.extui %sign3A_144 : i1 to i32
      %sign3A_146 = arith.constant 0 : i32
      %sign3A_147 = arith.cmpi slt, %add3A_115, %sign3A_146 : i32
      %sign3A_148 = arith.extui %sign3A_147 : i1 to i32
      %sign3A_149 = arith.subi %sign3A_145, %sign3A_148 : i32
      %sign3A_150 = arith.constant 0 : i32
      %sign3A_151 = arith.cmpi sgt, %jit3A_141, %sign3A_150 : i32
      %sign3A_152 = arith.extui %sign3A_151 : i1 to i32
      %sign3A_153 = arith.constant 0 : i32
      %sign3A_154 = arith.cmpi slt, %jit3A_141, %sign3A_153 : i32
      %sign3A_155 = arith.extui %sign3A_154 : i1 to i32
      %sign3A_156 = arith.subi %sign3A_152, %sign3A_155 : i32
      %ne3A_157 = arith.cmpi ne, %sign3A_149, %sign3A_156 : i32
      %rem3A_158 = arith.remsi %add3A_115, %jit3A_141 : i32
      %ne3A_159 = arith.constant 0 : i32
      %ne3A_160 = arith.cmpi ne, %rem3A_158, %ne3A_159 : i32
      %and3A_161 = arith.andi %ne3A_157, %ne3A_160 : i1
      %sub3A_162 = arith.constant 1 : i32
      %sub3A_163 = arith.subi %div3A_142, %sub3A_162 : i32
      %select_n3A_164 = arith.select %and3A_161, %sub3A_163, %div3A_142 : i32
      %mul3A_165 = arith.constant 786432 : i32
      %mul3A_166 = arith.muli %select_n3A_164, %mul3A_165 : i32
      %add3A_167 = arith.addi %mul3A_166, %mul3A_2 : i32
      %jit3A_168 = arith.constant 1 : i32
      %eq3A_169 = arith.constant 0 : i32
      %eq3A_170 = arith.cmpi eq, %jit3A_168, %eq3A_169 : i32
      %jit3A_171 = arith.constant 1 : i32
      %select_n3A_172 = arith.select %eq3A_170, %jit3A_171, %jit3A_168 : i32
      %rem3A_173 = arith.remsi %add3A_115, %select_n3A_172 : i32
      %ne3A_174 = arith.constant 0 : i32
      %ne3A_175 = arith.cmpi ne, %rem3A_173, %ne3A_174 : i32
      %lt3A_176 = arith.constant 0 : i32
      %lt3A_177 = arith.cmpi slt, %rem3A_173, %lt3A_176 : i32
      %lt3A_178 = arith.constant 0 : i32
      %lt3A_179 = arith.cmpi slt, %select_n3A_172, %lt3A_178 : i32
      %ne3A_180 = arith.xori %lt3A_177, %lt3A_179 : i1
      %and3A_181 = arith.andi %ne3A_180, %ne3A_175 : i1
      %add3A_182 = arith.addi %rem3A_173, %select_n3A_172 : i32
      %select_n3A_183 = arith.select %and3A_181, %add3A_182, %rem3A_173 : i32
      %mul3A_184 = arith.constant 24576 : i32
      %mul3A_185 = arith.muli %select_n3A_183, %mul3A_184 : i32
      %add3A_186 = arith.addi %add3A_167, %mul3A_185 : i32
      %dma_start3A_187 = tpu.memref_slice %arg4[%add3A_186] : memref<25165824xf32, #tpu.memory_space<hbm>> -> memref<24576xf32, #tpu.memory_space<hbm>>
      %dma_start3A_188 = tpu.memref_slice %arg4[%add3A_186] : memref<25165824xf32, #tpu.memory_space<hbm>> -> memref<24576xf32, #tpu.memory_space<hbm>>
      tpu.enqueue_dma source(%arg7 : memref<24576xf32, #tpu.memory_space<vmem>>) target(%dma_start3A_188 : memref<24576xf32, #tpu.memory_space<hbm>>) target_semaphore(%arg15 : memref<!tpu.dma_semaphore, #tpu.memory_space<semaphore_mem>>)
      %add3A_189 = arith.constant 3 : i32
      %add3A_190 = arith.addi %add3A_115, %add3A_189 : i32
      %lt3A_191 = arith.constant 32 : i32
      %lt3A_192 = arith.cmpi slt, %add3A_190, %lt3A_191 : i32
      %convert_element_type3A_193 = arith.extui %lt3A_192 : i1 to i32
      %cond3A_194 = arith.constant 0 : i32
      %cond3A_195 = arith.cmpi ne, %convert_element_type3A_193, %cond3A_194 : i32
      scf.if %cond3A_195 {
        %add3A_364 = arith.constant 3 : i32
        %add3A_365 = arith.addi %add3A_115, %add3A_364 : i32
        %ge3A = arith.constant 4 : i32
        %ge3A_366 = arith.cmpi sge, %add3A_365, %ge3A : i32
        %convert_element_type3A_367 = arith.extui %ge3A_366 : i1 to i32
        %cond3A_368 = arith.constant 0 : i32
        %cond3A_369 = arith.cmpi ne, %convert_element_type3A_367, %cond3A_368 : i32
        scf.if %cond3A_369 {
          %dma_wait3A_420 = arith.constant 0 : i32
          %dma_wait3A_421 = tpu.memref_slice %arg4[%dma_wait3A_420] : memref<25165824xf32, #tpu.memory_space<hbm>> -> memref<24576xf32, #tpu.memory_space<hbm>>
          %dma_wait3A_422 = arith.constant 0 : i32
          %dma_wait3A_423 = tpu.memref_slice %arg4[%dma_wait3A_422] : memref<25165824xf32, #tpu.memory_space<hbm>> -> memref<24576xf32, #tpu.memory_space<hbm>>
          tpu.wait_dma2 semaphore(%arg14 : memref<!tpu.dma_semaphore, #tpu.memory_space<semaphore_mem>>) src(%arg6 : memref<24576xf32, #tpu.memory_space<vmem>>) dst(%dma_wait3A_423 : memref<24576xf32, #tpu.memory_space<hbm>>)
        } else {
        }
        %add3A_370 = arith.constant 3 : i32
        %add3A_371 = arith.addi %add3A_115, %add3A_370 : i32
        %jit3A_372 = arith.constant 1 : i32
        %div3A_373 = arith.divsi %add3A_371, %jit3A_372 : i32
        %sign3A_374 = arith.constant 0 : i32
        %sign3A_375 = arith.cmpi sgt, %add3A_371, %sign3A_374 : i32
        %sign3A_376 = arith.extui %sign3A_375 : i1 to i32
        %sign3A_377 = arith.constant 0 : i32
        %sign3A_378 = arith.cmpi slt, %add3A_371, %sign3A_377 : i32
        %sign3A_379 = arith.extui %sign3A_378 : i1 to i32
        %sign3A_380 = arith.subi %sign3A_376, %sign3A_379 : i32
        %sign3A_381 = arith.constant 0 : i32
        %sign3A_382 = arith.cmpi sgt, %jit3A_372, %sign3A_381 : i32
        %sign3A_383 = arith.extui %sign3A_382 : i1 to i32
        %sign3A_384 = arith.constant 0 : i32
        %sign3A_385 = arith.cmpi slt, %jit3A_372, %sign3A_384 : i32
        %sign3A_386 = arith.extui %sign3A_385 : i1 to i32
        %sign3A_387 = arith.subi %sign3A_383, %sign3A_386 : i32
        %ne3A_388 = arith.cmpi ne, %sign3A_380, %sign3A_387 : i32
        %rem3A_389 = arith.remsi %add3A_371, %jit3A_372 : i32
        %ne3A_390 = arith.constant 0 : i32
        %ne3A_391 = arith.cmpi ne, %rem3A_389, %ne3A_390 : i32
        %and3A_392 = arith.andi %ne3A_388, %ne3A_391 : i1
        %sub3A_393 = arith.constant 1 : i32
        %sub3A_394 = arith.subi %div3A_373, %sub3A_393 : i32
        %select_n3A_395 = arith.select %and3A_392, %sub3A_394, %div3A_373 : i32
        %mul3A_396 = arith.constant 786432 : i32
        %mul3A_397 = arith.muli %select_n3A_395, %mul3A_396 : i32
        %add3A_398 = arith.addi %mul3A_397, %mul3A_2 : i32
        %jit3A_399 = arith.constant 1 : i32
        %eq3A_400 = arith.constant 0 : i32
        %eq3A_401 = arith.cmpi eq, %jit3A_399, %eq3A_400 : i32
        %jit3A_402 = arith.constant 1 : i32
        %select_n3A_403 = arith.select %eq3A_401, %jit3A_402, %jit3A_399 : i32
        %rem3A_404 = arith.remsi %add3A_371, %select_n3A_403 : i32
        %ne3A_405 = arith.constant 0 : i32
        %ne3A_406 = arith.cmpi ne, %rem3A_404, %ne3A_405 : i32
        %lt3A_407 = arith.constant 0 : i32
        %lt3A_408 = arith.cmpi slt, %rem3A_404, %lt3A_407 : i32
        %lt3A_409 = arith.constant 0 : i32
        %lt3A_410 = arith.cmpi slt, %select_n3A_403, %lt3A_409 : i32
        %ne3A_411 = arith.xori %lt3A_408, %lt3A_410 : i1
        %and3A_412 = arith.andi %ne3A_411, %ne3A_406 : i1
        %add3A_413 = arith.addi %rem3A_404, %select_n3A_403 : i32
        %select_n3A_414 = arith.select %and3A_412, %add3A_413, %rem3A_404 : i32
        %mul3A_415 = arith.constant 24576 : i32
        %mul3A_416 = arith.muli %select_n3A_414, %mul3A_415 : i32
        %add3A_417 = arith.addi %add3A_398, %mul3A_416 : i32
        %dma_start3A_418 = tpu.memref_slice %arg2[%add3A_417] : memref<25165824xf32, #tpu.memory_space<hbm>> -> memref<24576xf32, #tpu.memory_space<hbm>>
        %dma_start3A_419 = tpu.memref_slice %arg2[%add3A_417] : memref<25165824xf32, #tpu.memory_space<hbm>> -> memref<24576xf32, #tpu.memory_space<hbm>>
        tpu.enqueue_dma source(%dma_start3A_419 : memref<24576xf32, #tpu.memory_space<hbm>>) target(%arg6 : memref<24576xf32, #tpu.memory_space<vmem>>) target_semaphore(%arg10 : memref<!tpu.dma_semaphore, #tpu.memory_space<semaphore_mem>>)
      } else {
      }
      %mul3A_196 = arith.constant 4 : i32
      %mul3A_197 = arith.muli %scan3A_40, %mul3A_196 : i32
      %add3A_198 = arith.constant 2 : i32
      %add3A_199 = arith.addi %mul3A_197, %add3A_198 : i32
      %dma_wait3A_200 = arith.constant 0 : i32
      %dma_wait3A_201 = tpu.memref_slice %arg2[%dma_wait3A_200] : memref<25165824xf32, #tpu.memory_space<hbm>> -> memref<24576xf32, #tpu.memory_space<hbm>>
      %dma_wait3A_202 = arith.constant 0 : i32
      %dma_wait3A_203 = tpu.memref_slice %arg2[%dma_wait3A_202] : memref<25165824xf32, #tpu.memory_space<hbm>> -> memref<24576xf32, #tpu.memory_space<hbm>>
      tpu.wait_dma2 semaphore(%arg12 : memref<!tpu.dma_semaphore, #tpu.memory_space<semaphore_mem>>) src(%dma_wait3A_203 : memref<24576xf32, #tpu.memory_space<hbm>>) dst(%arg8 : memref<24576xf32, #tpu.memory_space<vmem>>)
      %jit3A_204 = arith.constant 1 : i32
      %eq3A_205 = arith.constant 0 : i32
      %eq3A_206 = arith.cmpi eq, %jit3A_204, %eq3A_205 : i32
      %jit3A_207 = arith.constant 1 : i32
      %select_n3A_208 = arith.select %eq3A_206, %jit3A_207, %jit3A_204 : i32
      %rem3A_209 = arith.remsi %add3A_199, %select_n3A_208 : i32
      %ne3A_210 = arith.constant 0 : i32
      %ne3A_211 = arith.cmpi ne, %rem3A_209, %ne3A_210 : i32
      %lt3A_212 = arith.constant 0 : i32
      %lt3A_213 = arith.cmpi slt, %rem3A_209, %lt3A_212 : i32
      %lt3A_214 = arith.constant 0 : i32
      %lt3A_215 = arith.cmpi slt, %select_n3A_208, %lt3A_214 : i32
      %ne3A_216 = arith.xori %lt3A_213, %lt3A_215 : i1
      %and3A_217 = arith.andi %ne3A_216, %ne3A_211 : i1
      %add3A_218 = arith.addi %rem3A_209, %select_n3A_208 : i32
      %select_n3A_219 = arith.select %and3A_217, %add3A_218, %rem3A_209 : i32
      %mul3A_220 = arith.constant 24576 : i32
      %mul3A_221 = arith.muli %select_n3A_219, %mul3A_220 : i32
      %parallel_loop3A_222 = arith.constant 0 : i32
      %parallel_loop3A_223 = arith.constant 24576 : i32
      %parallel_loop3A_224 = arith.constant 16 : i32
      scf.for %parallel_loop3A_364 = %parallel_loop3A_222 to %parallel_loop3A_223 step %parallel_loop3A_224  : i32 {
        %parallel_loop3A_365 = arith.addi %mul3A_221, %parallel_loop3A_364 : i32
        %parallel_loop3A_366 = arith.index_cast %parallel_loop3A_365 : i32 to index
        %parallel_loop3A_367 = tpu.vector_load %arg5[%parallel_loop3A_366] {strides = array<i32>} : memref<24576xf32, #tpu.memory_space<vmem>>, vector<16xf32>,
        %parallel_loop3A_368 = vector.shape_cast %parallel_loop3A_367 : vector<16xf32> to vector<16xf32>
        %parallel_loop3A_369 = arith.index_cast %parallel_loop3A_364 : i32 to index
        %parallel_loop3A_370 = tpu.vector_load %arg8[%parallel_loop3A_369] {strides = array<i32>} : memref<24576xf32, #tpu.memory_space<vmem>>, vector<16xf32>,
        %parallel_loop3A_371 = vector.shape_cast %parallel_loop3A_370 : vector<16xf32> to vector<16xf32>
        %parallel_loop3A_372 = vector.shape_cast %parallel_loop3A_368 : vector<16xf32> to vector<16xf32>
        tpu.vector_store %arg8[%parallel_loop3A_369], %parallel_loop3A_372 {add = true, strides = array<i32>} : memref<24576xf32, #tpu.memory_space<vmem>>, vector<16xf32>,
      } {sc.loop_unroll_factor = 8 : i64, sc.parallel_access}
      %jit3A_225 = arith.constant 1 : i32
      %div3A_226 = arith.divsi %add3A_199, %jit3A_225 : i32
      %sign3A_227 = arith.constant 0 : i32
      %sign3A_228 = arith.cmpi sgt, %add3A_199, %sign3A_227 : i32
      %sign3A_229 = arith.extui %sign3A_228 : i1 to i32
      %sign3A_230 = arith.constant 0 : i32
      %sign3A_231 = arith.cmpi slt, %add3A_199, %sign3A_230 : i32
      %sign3A_232 = arith.extui %sign3A_231 : i1 to i32
      %sign3A_233 = arith.subi %sign3A_229, %sign3A_232 : i32
      %sign3A_234 = arith.constant 0 : i32
      %sign3A_235 = arith.cmpi sgt, %jit3A_225, %sign3A_234 : i32
      %sign3A_236 = arith.extui %sign3A_235 : i1 to i32
      %sign3A_237 = arith.constant 0 : i32
      %sign3A_238 = arith.cmpi slt, %jit3A_225, %sign3A_237 : i32
      %sign3A_239 = arith.extui %sign3A_238 : i1 to i32
      %sign3A_240 = arith.subi %sign3A_236, %sign3A_239 : i32
      %ne3A_241 = arith.cmpi ne, %sign3A_233, %sign3A_240 : i32
      %rem3A_242 = arith.remsi %add3A_199, %jit3A_225 : i32
      %ne3A_243 = arith.constant 0 : i32
      %ne3A_244 = arith.cmpi ne, %rem3A_242, %ne3A_243 : i32
      %and3A_245 = arith.andi %ne3A_241, %ne3A_244 : i1
      %sub3A_246 = arith.constant 1 : i32
      %sub3A_247 = arith.subi %div3A_226, %sub3A_246 : i32
      %select_n3A_248 = arith.select %and3A_245, %sub3A_247, %div3A_226 : i32
      %mul3A_249 = arith.constant 786432 : i32
      %mul3A_250 = arith.muli %select_n3A_248, %mul3A_249 : i32
      %add3A_251 = arith.addi %mul3A_250, %mul3A_2 : i32
      %jit3A_252 = arith.constant 1 : i32
      %eq3A_253 = arith.constant 0 : i32
      %eq3A_254 = arith.cmpi eq, %jit3A_252, %eq3A_253 : i32
      %jit3A_255 = arith.constant 1 : i32
      %select_n3A_256 = arith.select %eq3A_254, %jit3A_255, %jit3A_252 : i32
      %rem3A_257 = arith.remsi %add3A_199, %select_n3A_256 : i32
      %ne3A_258 = arith.constant 0 : i32
      %ne3A_259 = arith.cmpi ne, %rem3A_257, %ne3A_258 : i32
      %lt3A_260 = arith.constant 0 : i32
      %lt3A_261 = arith.cmpi slt, %rem3A_257, %lt3A_260 : i32
      %lt3A_262 = arith.constant 0 : i32
      %lt3A_263 = arith.cmpi slt, %select_n3A_256, %lt3A_262 : i32
      %ne3A_264 = arith.xori %lt3A_261, %lt3A_263 : i1
      %and3A_265 = arith.andi %ne3A_264, %ne3A_259 : i1
      %add3A_266 = arith.addi %rem3A_257, %select_n3A_256 : i32
      %select_n3A_267 = arith.select %and3A_265, %add3A_266, %rem3A_257 : i32
      %mul3A_268 = arith.constant 24576 : i32
      %mul3A_269 = arith.muli %select_n3A_267, %mul3A_268 : i32
      %add3A_270 = arith.addi %add3A_251, %mul3A_269 : i32
      %dma_start3A_271 = tpu.memref_slice %arg4[%add3A_270] : memref<25165824xf32, #tpu.memory_space<hbm>> -> memref<24576xf32, #tpu.memory_space<hbm>>
      %dma_start3A_272 = tpu.memref_slice %arg4[%add3A_270] : memref<25165824xf32, #tpu.memory_space<hbm>> -> memref<24576xf32, #tpu.memory_space<hbm>>
      tpu.enqueue_dma source(%arg8 : memref<24576xf32, #tpu.memory_space<vmem>>) target(%dma_start3A_272 : memref<24576xf32, #tpu.memory_space<hbm>>) target_semaphore(%arg16 : memref<!tpu.dma_semaphore, #tpu.memory_space<semaphore_mem>>)
      %add3A_273 = arith.constant 3 : i32
      %add3A_274 = arith.addi %add3A_199, %add3A_273 : i32
      %lt3A_275 = arith.constant 32 : i32
      %lt3A_276 = arith.cmpi slt, %add3A_274, %lt3A_275 : i32
      %convert_element_type3A_277 = arith.extui %lt3A_276 : i1 to i32
      %cond3A_278 = arith.constant 0 : i32
      %cond3A_279 = arith.cmpi ne, %convert_element_type3A_277, %cond3A_278 : i32
      scf.if %cond3A_279 {
        %add3A_364 = arith.constant 3 : i32
        %add3A_365 = arith.addi %add3A_199, %add3A_364 : i32
        %ge3A = arith.constant 4 : i32
        %ge3A_366 = arith.cmpi sge, %add3A_365, %ge3A : i32
        %convert_element_type3A_367 = arith.extui %ge3A_366 : i1 to i32
        %cond3A_368 = arith.constant 0 : i32
        %cond3A_369 = arith.cmpi ne, %convert_element_type3A_367, %cond3A_368 : i32
        scf.if %cond3A_369 {
          %dma_wait3A_420 = arith.constant 0 : i32
          %dma_wait3A_421 = tpu.memref_slice %arg4[%dma_wait3A_420] : memref<25165824xf32, #tpu.memory_space<hbm>> -> memref<24576xf32, #tpu.memory_space<hbm>>
          %dma_wait3A_422 = arith.constant 0 : i32
          %dma_wait3A_423 = tpu.memref_slice %arg4[%dma_wait3A_422] : memref<25165824xf32, #tpu.memory_space<hbm>> -> memref<24576xf32, #tpu.memory_space<hbm>>
          tpu.wait_dma2 semaphore(%arg15 : memref<!tpu.dma_semaphore, #tpu.memory_space<semaphore_mem>>) src(%arg7 : memref<24576xf32, #tpu.memory_space<vmem>>) dst(%dma_wait3A_423 : memref<24576xf32, #tpu.memory_space<hbm>>)
        } else {
        }
        %add3A_370 = arith.constant 3 : i32
        %add3A_371 = arith.addi %add3A_199, %add3A_370 : i32
        %jit3A_372 = arith.constant 1 : i32
        %div3A_373 = arith.divsi %add3A_371, %jit3A_372 : i32
        %sign3A_374 = arith.constant 0 : i32
        %sign3A_375 = arith.cmpi sgt, %add3A_371, %sign3A_374 : i32
        %sign3A_376 = arith.extui %sign3A_375 : i1 to i32
        %sign3A_377 = arith.constant 0 : i32
        %sign3A_378 = arith.cmpi slt, %add3A_371, %sign3A_377 : i32
        %sign3A_379 = arith.extui %sign3A_378 : i1 to i32
        %sign3A_380 = arith.subi %sign3A_376, %sign3A_379 : i32
        %sign3A_381 = arith.constant 0 : i32
        %sign3A_382 = arith.cmpi sgt, %jit3A_372, %sign3A_381 : i32
        %sign3A_383 = arith.extui %sign3A_382 : i1 to i32
        %sign3A_384 = arith.constant 0 : i32
        %sign3A_385 = arith.cmpi slt, %jit3A_372, %sign3A_384 : i32
        %sign3A_386 = arith.extui %sign3A_385 : i1 to i32
        %sign3A_387 = arith.subi %sign3A_383, %sign3A_386 : i32
        %ne3A_388 = arith.cmpi ne, %sign3A_380, %sign3A_387 : i32
        %rem3A_389 = arith.remsi %add3A_371, %jit3A_372 : i32
        %ne3A_390 = arith.constant 0 : i32
        %ne3A_391 = arith.cmpi ne, %rem3A_389, %ne3A_390 : i32
        %and3A_392 = arith.andi %ne3A_388, %ne3A_391 : i1
        %sub3A_393 = arith.constant 1 : i32
        %sub3A_394 = arith.subi %div3A_373, %sub3A_393 : i32
        %select_n3A_395 = arith.select %and3A_392, %sub3A_394, %div3A_373 : i32
        %mul3A_396 = arith.constant 786432 : i32
        %mul3A_397 = arith.muli %select_n3A_395, %mul3A_396 : i32
        %add3A_398 = arith.addi %mul3A_397, %mul3A_2 : i32
        %jit3A_399 = arith.constant 1 : i32
        %eq3A_400 = arith.constant 0 : i32
        %eq3A_401 = arith.cmpi eq, %jit3A_399, %eq3A_400 : i32
        %jit3A_402 = arith.constant 1 : i32
        %select_n3A_403 = arith.select %eq3A_401, %jit3A_402, %jit3A_399 : i32
        %rem3A_404 = arith.remsi %add3A_371, %select_n3A_403 : i32
        %ne3A_405 = arith.constant 0 : i32
        %ne3A_406 = arith.cmpi ne, %rem3A_404, %ne3A_405 : i32
        %lt3A_407 = arith.constant 0 : i32
        %lt3A_408 = arith.cmpi slt, %rem3A_404, %lt3A_407 : i32
        %lt3A_409 = arith.constant 0 : i32
        %lt3A_410 = arith.cmpi slt, %select_n3A_403, %lt3A_409 : i32
        %ne3A_411 = arith.xori %lt3A_408, %lt3A_410 : i1
        %and3A_412 = arith.andi %ne3A_411, %ne3A_406 : i1
        %add3A_413 = arith.addi %rem3A_404, %select_n3A_403 : i32
        %select_n3A_414 = arith.select %and3A_412, %add3A_413, %rem3A_404 : i32
        %mul3A_415 = arith.constant 24576 : i32
        %mul3A_416 = arith.muli %select_n3A_414, %mul3A_415 : i32
        %add3A_417 = arith.addi %add3A_398, %mul3A_416 : i32
        %dma_start3A_418 = tpu.memref_slice %arg2[%add3A_417] : memref<25165824xf32, #tpu.memory_space<hbm>> -> memref<24576xf32, #tpu.memory_space<hbm>>
        %dma_start3A_419 = tpu.memref_slice %arg2[%add3A_417] : memref<25165824xf32, #tpu.memory_space<hbm>> -> memref<24576xf32, #tpu.memory_space<hbm>>
        tpu.enqueue_dma source(%dma_start3A_419 : memref<24576xf32, #tpu.memory_space<hbm>>) target(%arg7 : memref<24576xf32, #tpu.memory_space<vmem>>) target_semaphore(%arg11 : memref<!tpu.dma_semaphore, #tpu.memory_space<semaphore_mem>>)
      } else {
      }
      %mul3A_280 = arith.constant 4 : i32
      %mul3A_281 = arith.muli %scan3A_40, %mul3A_280 : i32
      %add3A_282 = arith.constant 3 : i32
      %add3A_283 = arith.addi %mul3A_281, %add3A_282 : i32
      %dma_wait3A_284 = arith.constant 0 : i32
      %dma_wait3A_285 = tpu.memref_slice %arg2[%dma_wait3A_284] : memref<25165824xf32, #tpu.memory_space<hbm>> -> memref<24576xf32, #tpu.memory_space<hbm>>
      %dma_wait3A_286 = arith.constant 0 : i32
      %dma_wait3A_287 = tpu.memref_slice %arg2[%dma_wait3A_286] : memref<25165824xf32, #tpu.memory_space<hbm>> -> memref<24576xf32, #tpu.memory_space<hbm>>
      tpu.wait_dma2 semaphore(%arg13 : memref<!tpu.dma_semaphore, #tpu.memory_space<semaphore_mem>>) src(%dma_wait3A_287 : memref<24576xf32, #tpu.memory_space<hbm>>) dst(%arg9 : memref<24576xf32, #tpu.memory_space<vmem>>)
      %jit3A_288 = arith.constant 1 : i32
      %eq3A_289 = arith.constant 0 : i32
      %eq3A_290 = arith.cmpi eq, %jit3A_288, %eq3A_289 : i32
      %jit3A_291 = arith.constant 1 : i32
      %select_n3A_292 = arith.select %eq3A_290, %jit3A_291, %jit3A_288 : i32
      %rem3A_293 = arith.remsi %add3A_283, %select_n3A_292 : i32
      %ne3A_294 = arith.constant 0 : i32
      %ne3A_295 = arith.cmpi ne, %rem3A_293, %ne3A_294 : i32
      %lt3A_296 = arith.constant 0 : i32
      %lt3A_297 = arith.cmpi slt, %rem3A_293, %lt3A_296 : i32
      %lt3A_298 = arith.constant 0 : i32
      %lt3A_299 = arith.cmpi slt, %select_n3A_292, %lt3A_298 : i32
      %ne3A_300 = arith.xori %lt3A_297, %lt3A_299 : i1
      %and3A_301 = arith.andi %ne3A_300, %ne3A_295 : i1
      %add3A_302 = arith.addi %rem3A_293, %select_n3A_292 : i32
      %select_n3A_303 = arith.select %and3A_301, %add3A_302, %rem3A_293 : i32
      %mul3A_304 = arith.constant 24576 : i32
      %mul3A_305 = arith.muli %select_n3A_303, %mul3A_304 : i32
      %parallel_loop3A_306 = arith.constant 0 : i32
      %parallel_loop3A_307 = arith.constant 24576 : i32
      %parallel_loop3A_308 = arith.constant 16 : i32
      scf.for %parallel_loop3A_364 = %parallel_loop3A_306 to %parallel_loop3A_307 step %parallel_loop3A_308  : i32 {
        %parallel_loop3A_365 = arith.addi %mul3A_305, %parallel_loop3A_364 : i32
        %parallel_loop3A_366 = arith.index_cast %parallel_loop3A_365 : i32 to index
        %parallel_loop3A_367 = tpu.vector_load %arg5[%parallel_loop3A_366] {strides = array<i32>} : memref<24576xf32, #tpu.memory_space<vmem>>, vector<16xf32>,
        %parallel_loop3A_368 = vector.shape_cast %parallel_loop3A_367 : vector<16xf32> to vector<16xf32>
        %parallel_loop3A_369 = arith.index_cast %parallel_loop3A_364 : i32 to index
        %parallel_loop3A_370 = tpu.vector_load %arg9[%parallel_loop3A_369] {strides = array<i32>} : memref<24576xf32, #tpu.memory_space<vmem>>, vector<16xf32>,
        %parallel_loop3A_371 = vector.shape_cast %parallel_loop3A_370 : vector<16xf32> to vector<16xf32>
        %parallel_loop3A_372 = vector.shape_cast %parallel_loop3A_368 : vector<16xf32> to vector<16xf32>
        tpu.vector_store %arg9[%parallel_loop3A_369], %parallel_loop3A_372 {add = true, strides = array<i32>} : memref<24576xf32, #tpu.memory_space<vmem>>, vector<16xf32>,
      } {sc.loop_unroll_factor = 8 : i64, sc.parallel_access}
      %jit3A_309 = arith.constant 1 : i32
      %div3A_310 = arith.divsi %add3A_283, %jit3A_309 : i32
      %sign3A_311 = arith.constant 0 : i32
      %sign3A_312 = arith.cmpi sgt, %add3A_283, %sign3A_311 : i32
      %sign3A_313 = arith.extui %sign3A_312 : i1 to i32
      %sign3A_314 = arith.constant 0 : i32
      %sign3A_315 = arith.cmpi slt, %add3A_283, %sign3A_314 : i32
      %sign3A_316 = arith.extui %sign3A_315 : i1 to i32
      %sign3A_317 = arith.subi %sign3A_313, %sign3A_316 : i32
      %sign3A_318 = arith.constant 0 : i32
      %sign3A_319 = arith.cmpi sgt, %jit3A_309, %sign3A_318 : i32
      %sign3A_320 = arith.extui %sign3A_319 : i1 to i32
      %sign3A_321 = arith.constant 0 : i32
      %sign3A_322 = arith.cmpi slt, %jit3A_309, %sign3A_321 : i32
      %sign3A_323 = arith.extui %sign3A_322 : i1 to i32
      %sign3A_324 = arith.subi %sign3A_320, %sign3A_323 : i32
      %ne3A_325 = arith.cmpi ne, %sign3A_317, %sign3A_324 : i32
      %rem3A_326 = arith.remsi %add3A_283, %jit3A_309 : i32
      %ne3A_327 = arith.constant 0 : i32
      %ne3A_328 = arith.cmpi ne, %rem3A_326, %ne3A_327 : i32
      %and3A_329 = arith.andi %ne3A_325, %ne3A_328 : i1
      %sub3A_330 = arith.constant 1 : i32
      %sub3A_331 = arith.subi %div3A_310, %sub3A_330 : i32
      %select_n3A_332 = arith.select %and3A_329, %sub3A_331, %div3A_310 : i32
      %mul3A_333 = arith.constant 786432 : i32
      %mul3A_334 = arith.muli %select_n3A_332, %mul3A_333 : i32
      %add3A_335 = arith.addi %mul3A_334, %mul3A_2 : i32
      %jit3A_336 = arith.constant 1 : i32
      %eq3A_337 = arith.constant 0 : i32
      %eq3A_338 = arith.cmpi eq, %jit3A_336, %eq3A_337 : i32
      %jit3A_339 = arith.constant 1 : i32
      %select_n3A_340 = arith.select %eq3A_338, %jit3A_339, %jit3A_336 : i32
      %rem3A_341 = arith.remsi %add3A_283, %select_n3A_340 : i32
      %ne3A_342 = arith.constant 0 : i32
      %ne3A_343 = arith.cmpi ne, %rem3A_341, %ne3A_342 : i32
      %lt3A_344 = arith.constant 0 : i32
      %lt3A_345 = arith.cmpi slt, %rem3A_341, %lt3A_344 : i32
      %lt3A_346 = arith.constant 0 : i32
      %lt3A_347 = arith.cmpi slt, %select_n3A_340, %lt3A_346 : i32
      %ne3A_348 = arith.xori %lt3A_345, %lt3A_347 : i1
      %and3A_349 = arith.andi %ne3A_348, %ne3A_343 : i1
      %add3A_350 = arith.addi %rem3A_341, %select_n3A_340 : i32
      %select_n3A_351 = arith.select %and3A_349, %add3A_350, %rem3A_341 : i32
      %mul3A_352 = arith.constant 24576 : i32
      %mul3A_353 = arith.muli %select_n3A_351, %mul3A_352 : i32
      %add3A_354 = arith.addi %add3A_335, %mul3A_353 : i32
      %dma_start3A_355 = tpu.memref_slice %arg4[%add3A_354] : memref<25165824xf32, #tpu.memory_space<hbm>> -> memref<24576xf32, #tpu.memory_space<hbm>>
      %dma_start3A_356 = tpu.memref_slice %arg4[%add3A_354] : memref<25165824xf32, #tpu.memory_space<hbm>> -> memref<24576xf32, #tpu.memory_space<hbm>>
      tpu.enqueue_dma source(%arg9 : memref<24576xf32, #tpu.memory_space<vmem>>) target(%dma_start3A_356 : memref<24576xf32, #tpu.memory_space<hbm>>) target_semaphore(%arg17 : memref<!tpu.dma_semaphore, #tpu.memory_space<semaphore_mem>>)
      %add3A_357 = arith.constant 3 : i32
      %add3A_358 = arith.addi %add3A_283, %add3A_357 : i32
      %lt3A_359 = arith.constant 32 : i32
      %lt3A_360 = arith.cmpi slt, %add3A_358, %lt3A_359 : i32
      %convert_element_type3A_361 = arith.extui %lt3A_360 : i1 to i32
      %cond3A_362 = arith.constant 0 : i32
      %cond3A_363 = arith.cmpi ne, %convert_element_type3A_361, %cond3A_362 : i32
      scf.if %cond3A_363 {
        %add3A_364 = arith.constant 3 : i32
        %add3A_365 = arith.addi %add3A_283, %add3A_364 : i32
        %ge3A = arith.constant 4 : i32
        %ge3A_366 = arith.cmpi sge, %add3A_365, %ge3A : i32
        %convert_element_type3A_367 = arith.extui %ge3A_366 : i1 to i32
        %cond3A_368 = arith.constant 0 : i32
        %cond3A_369 = arith.cmpi ne, %convert_element_type3A_367, %cond3A_368 : i32
        scf.if %cond3A_369 {
          %dma_wait3A_420 = arith.constant 0 : i32
          %dma_wait3A_421 = tpu.memref_slice %arg4[%dma_wait3A_420] : memref<25165824xf32, #tpu.memory_space<hbm>> -> memref<24576xf32, #tpu.memory_space<hbm>>
          %dma_wait3A_422 = arith.constant 0 : i32
          %dma_wait3A_423 = tpu.memref_slice %arg4[%dma_wait3A_422] : memref<25165824xf32, #tpu.memory_space<hbm>> -> memref<24576xf32, #tpu.memory_space<hbm>>
          tpu.wait_dma2 semaphore(%arg16 : memref<!tpu.dma_semaphore, #tpu.memory_space<semaphore_mem>>) src(%arg8 : memref<24576xf32, #tpu.memory_space<vmem>>) dst(%dma_wait3A_423 : memref<24576xf32, #tpu.memory_space<hbm>>)
        } else {
        }
        %add3A_370 = arith.constant 3 : i32
        %add3A_371 = arith.addi %add3A_283, %add3A_370 : i32
        %jit3A_372 = arith.constant 1 : i32
        %div3A_373 = arith.divsi %add3A_371, %jit3A_372 : i32
        %sign3A_374 = arith.constant 0 : i32
        %sign3A_375 = arith.cmpi sgt, %add3A_371, %sign3A_374 : i32
        %sign3A_376 = arith.extui %sign3A_375 : i1 to i32
        %sign3A_377 = arith.constant 0 : i32
        %sign3A_378 = arith.cmpi slt, %add3A_371, %sign3A_377 : i32
        %sign3A_379 = arith.extui %sign3A_378 : i1 to i32
        %sign3A_380 = arith.subi %sign3A_376, %sign3A_379 : i32
        %sign3A_381 = arith.constant 0 : i32
        %sign3A_382 = arith.cmpi sgt, %jit3A_372, %sign3A_381 : i32
        %sign3A_383 = arith.extui %sign3A_382 : i1 to i32
        %sign3A_384 = arith.constant 0 : i32
        %sign3A_385 = arith.cmpi slt, %jit3A_372, %sign3A_384 : i32
        %sign3A_386 = arith.extui %sign3A_385 : i1 to i32
        %sign3A_387 = arith.subi %sign3A_383, %sign3A_386 : i32
        %ne3A_388 = arith.cmpi ne, %sign3A_380, %sign3A_387 : i32
        %rem3A_389 = arith.remsi %add3A_371, %jit3A_372 : i32
        %ne3A_390 = arith.constant 0 : i32
        %ne3A_391 = arith.cmpi ne, %rem3A_389, %ne3A_390 : i32
        %and3A_392 = arith.andi %ne3A_388, %ne3A_391 : i1
        %sub3A_393 = arith.constant 1 : i32
        %sub3A_394 = arith.subi %div3A_373, %sub3A_393 : i32
        %select_n3A_395 = arith.select %and3A_392, %sub3A_394, %div3A_373 : i32
        %mul3A_396 = arith.constant 786432 : i32
        %mul3A_397 = arith.muli %select_n3A_395, %mul3A_396 : i32
        %add3A_398 = arith.addi %mul3A_397, %mul3A_2 : i32
        %jit3A_399 = arith.constant 1 : i32
        %eq3A_400 = arith.constant 0 : i32
        %eq3A_401 = arith.cmpi eq, %jit3A_399, %eq3A_400 : i32
        %jit3A_402 = arith.constant 1 : i32
        %select_n3A_403 = arith.select %eq3A_401, %jit3A_402, %jit3A_399 : i32
        %rem3A_404 = arith.remsi %add3A_371, %select_n3A_403 : i32
        %ne3A_405 = arith.constant 0 : i32
        %ne3A_406 = arith.cmpi ne, %rem3A_404, %ne3A_405 : i32
        %lt3A_407 = arith.constant 0 : i32
        %lt3A_408 = arith.cmpi slt, %rem3A_404, %lt3A_407 : i32
        %lt3A_409 = arith.constant 0 : i32
        %lt3A_410 = arith.cmpi slt, %select_n3A_403, %lt3A_409 : i32
        %ne3A_411 = arith.xori %lt3A_408, %lt3A_410 : i1
        %and3A_412 = arith.andi %ne3A_411, %ne3A_406 : i1
        %add3A_413 = arith.addi %rem3A_404, %select_n3A_403 : i32
        %select_n3A_414 = arith.select %and3A_412, %add3A_413, %rem3A_404 : i32
        %mul3A_415 = arith.constant 24576 : i32
        %mul3A_416 = arith.muli %select_n3A_414, %mul3A_415 : i32
        %add3A_417 = arith.addi %add3A_398, %mul3A_416 : i32
        %dma_start3A_418 = tpu.memref_slice %arg2[%add3A_417] : memref<25165824xf32, #tpu.memory_space<hbm>> -> memref<24576xf32, #tpu.memory_space<hbm>>
        %dma_start3A_419 = tpu.memref_slice %arg2[%add3A_417] : memref<25165824xf32, #tpu.memory_space<hbm>> -> memref<24576xf32, #tpu.memory_space<hbm>>
        tpu.enqueue_dma source(%dma_start3A_419 : memref<24576xf32, #tpu.memory_space<hbm>>) target(%arg8 : memref<24576xf32, #tpu.memory_space<vmem>>) target_semaphore(%arg12 : memref<!tpu.dma_semaphore, #tpu.memory_space<semaphore_mem>>)
      } else {
      }
    }
    %scan3A_24 = arith.constant 8 : i32
    %dma_wait3A = arith.constant 0 : i32
    %dma_wait3A_25 = tpu.memref_slice %arg4[%dma_wait3A] : memref<25165824xf32, #tpu.memory_space<hbm>> -> memref<24576xf32, #tpu.memory_space<hbm>>
    %dma_wait3A_26 = arith.constant 0 : i32
    %dma_wait3A_27 = tpu.memref_slice %arg4[%dma_wait3A_26] : memref<25165824xf32, #tpu.memory_space<hbm>> -> memref<24576xf32, #tpu.memory_space<hbm>>
    tpu.wait_dma2 semaphore(%arg14 : memref<!tpu.dma_semaphore, #tpu.memory_space<semaphore_mem>>) src(%arg6 : memref<24576xf32, #tpu.memory_space<vmem>>) dst(%dma_wait3A_27 : memref<24576xf32, #tpu.memory_space<hbm>>)
    %dma_wait3A_28 = arith.constant 0 : i32
    %dma_wait3A_29 = tpu.memref_slice %arg4[%dma_wait3A_28] : memref<25165824xf32, #tpu.memory_space<hbm>> -> memref<24576xf32, #tpu.memory_space<hbm>>
    %dma_wait3A_30 = arith.constant 0 : i32
    %dma_wait3A_31 = tpu.memref_slice %arg4[%dma_wait3A_30] : memref<25165824xf32, #tpu.memory_space<hbm>> -> memref<24576xf32, #tpu.memory_space<hbm>>
    tpu.wait_dma2 semaphore(%arg15 : memref<!tpu.dma_semaphore, #tpu.memory_space<semaphore_mem>>) src(%arg7 : memref<24576xf32, #tpu.memory_space<vmem>>) dst(%dma_wait3A_31 : memref<24576xf32, #tpu.memory_space<hbm>>)
    %dma_wait3A_32 = arith.constant 0 : i32
    %dma_wait3A_33 = tpu.memref_slice %arg4[%dma_wait3A_32] : memref<25165824xf32, #tpu.memory_space<hbm>> -> memref<24576xf32, #tpu.memory_space<hbm>>
    %dma_wait3A_34 = arith.constant 0 : i32
    %dma_wait3A_35 = tpu.memref_slice %arg4[%dma_wait3A_34] : memref<25165824xf32, #tpu.memory_space<hbm>> -> memref<24576xf32, #tpu.memory_space<hbm>>
    tpu.wait_dma2 semaphore(%arg16 : memref<!tpu.dma_semaphore, #tpu.memory_space<semaphore_mem>>) src(%arg8 : memref<24576xf32, #tpu.memory_space<vmem>>) dst(%dma_wait3A_35 : memref<24576xf32, #tpu.memory_space<hbm>>)
    %dma_wait3A_36 = arith.constant 0 : i32
    %dma_wait3A_37 = tpu.memref_slice %arg4[%dma_wait3A_36] : memref<25165824xf32, #tpu.memory_space<hbm>> -> memref<24576xf32, #tpu.memory_space<hbm>>
    %dma_wait3A_38 = arith.constant 0 : i32
    %dma_wait3A_39 = tpu.memref_slice %arg4[%dma_wait3A_38] : memref<25165824xf32, #tpu.memory_space<hbm>> -> memref<24576xf32, #tpu.memory_space<hbm>>
    tpu.wait_dma2 semaphore(%arg17 : memref<!tpu.dma_semaphore, #tpu.memory_space<semaphore_mem>>) src(%arg9 : memref<24576xf32, #tpu.memory_space<vmem>>) dst(%dma_wait3A_39 : memref<24576xf32, #tpu.memory_space<hbm>>)
    return
  }
}

module attributes {stable_mosaic.version = 14 : i64} {
  func.func @_pos_body(%arg0: memref<32x768xf32, #tpu.memory_space<hbm>>, %arg1: memref<32x768xf32, #tpu.memory_space<hbm>>, %arg2: memref<32x32x768xf32, #tpu.memory_space<hbm>>, %arg3: memref<32x768xf32, #tpu.memory_space<vmem>>, %arg4: memref<32x768xf32, #tpu.memory_space<vmem>>, %arg5: memref<32x32x768xf32, #tpu.memory_space<vmem>>, %arg6: memref<!tpu.dma_semaphore, #tpu.memory_space<semaphore_mem>>) attributes {dimension_semantics = [], scalar_prefetch = 0 : i64, scratch_operands = 4 : i64, tpu.core_type = #tpu.core_type<tc>} {
    tpu.enqueue_dma source(%arg0 : memref<32x768xf32, #tpu.memory_space<hbm>>) target(%arg3 : memref<32x768xf32, #tpu.memory_space<vmem>>) target_semaphore(%arg6 : memref<!tpu.dma_semaphore, #tpu.memory_space<semaphore_mem>>)
    tpu.enqueue_dma source(%arg1 : memref<32x768xf32, #tpu.memory_space<hbm>>) target(%arg4 : memref<32x768xf32, #tpu.memory_space<vmem>>) target_semaphore(%arg6 : memref<!tpu.dma_semaphore, #tpu.memory_space<semaphore_mem>>)
    tpu.wait_dma2 semaphore(%arg6 : memref<!tpu.dma_semaphore, #tpu.memory_space<semaphore_mem>>) src(%arg0 : memref<32x768xf32, #tpu.memory_space<hbm>>) dst(%arg3 : memref<32x768xf32, #tpu.memory_space<vmem>>)
    tpu.wait_dma2 semaphore(%arg6 : memref<!tpu.dma_semaphore, #tpu.memory_space<semaphore_mem>>) src(%arg1 : memref<32x768xf32, #tpu.memory_space<hbm>>) dst(%arg4 : memref<32x768xf32, #tpu.memory_space<vmem>>)
    %get3A = arith.constant 0 : index
    %get3A_0 = arith.constant 0 : index
    %get3A_1 = vector.load %arg3[%get3A, %get3A_0] : memref<32x768xf32, #tpu.memory_space<vmem>>, vector<32x768xf32>
    %broadcast_in_dim3A = vector.shape_cast %get3A_1 : vector<32x768xf32> to vector<32x1x768xf32>
    %get3A_2 = arith.constant 0 : index
    %get3A_3 = arith.constant 0 : index
    %get3A_4 = vector.load %arg4[%get3A_2, %get3A_3] : memref<32x768xf32, #tpu.memory_space<vmem>>, vector<32x768xf32>
    %broadcast_in_dim3A_5 = vector.shape_cast %get3A_4 : vector<32x768xf32> to vector<1x32x768xf32>
    %add3A = vector.broadcast %broadcast_in_dim3A : vector<32x1x768xf32> to vector<32x32x768xf32>
    %add3A_6 = vector.broadcast %broadcast_in_dim3A_5 : vector<1x32x768xf32> to vector<32x32x768xf32>
    %add3A_7 = arith.addf %add3A, %add3A_6 : vector<32x32x768xf32>
    %swap3A = arith.constant 0 : index
    %swap3A_8 = arith.constant 0 : index
    %swap3A_9 = arith.constant 0 : index
    %swap3A_10 = vector.load %arg5[%swap3A, %swap3A_8, %swap3A_9] : memref<32x32x768xf32, #tpu.memory_space<vmem>>, vector<32x32x768xf32>
    tpu.vector_store %arg5[%swap3A, %swap3A_8, %swap3A_9], %add3A_7 {strides = array<i32>} : memref<32x32x768xf32, #tpu.memory_space<vmem>>, vector<32x32x768xf32>,
    tpu.enqueue_dma source(%arg5 : memref<32x32x768xf32, #tpu.memory_space<vmem>>) target(%arg2 : memref<32x32x768xf32, #tpu.memory_space<hbm>>) target_semaphore(%arg6 : memref<!tpu.dma_semaphore, #tpu.memory_space<semaphore_mem>>)
    tpu.wait_dma2 semaphore(%arg6 : memref<!tpu.dma_semaphore, #tpu.memory_space<semaphore_mem>>) src(%arg5 : memref<32x32x768xf32, #tpu.memory_space<vmem>>) dst(%arg2 : memref<32x32x768xf32, #tpu.memory_space<hbm>>)
    return
  }
}

</mosaic_0001>

<sc_bundles>
// kernel: kernel.4.cloned.1.call-start
scs
__scs_entry_jumppad:
0x0: {  	(pc) =	sbr.rel $0x88, $3  }
0x1: {  	(tag) =	ssettag $0x0;
	lr =	simm.s32 $0x1  }
0x2: {  	[smem:$0x3F9E] =	sst lr;
	_ =	strace $0xD0000000  }
0x3: {  	_ = 	snop  }
0x4: {  	_ = 	snop  }
0x5: {  	_ = 	snop  }
0x6: {  	_ = 	snop  }
0x7: {  	_ = 	snop  }
__scs_overlays_trampoline_lowered:
0x8: {  	[smem:$0x3FAD] =	sst s0  }
0x9: {  	[smem:$0x3FAE] =	sst s1  }
0xa: {  	[smem:$0x3FAF] =	sst s2  }
0xb: {  	[smem:$0x3FB0] =	sst s3  }
0xc: {  	[smem:$0x3FB1] =	sst s4  }
0xd: {  	[smem:$0x3FB2] =	sst s5  }
0xe: {  	[smem:$0x3FB3] =	sst s6  }
0xf: {  	[smem:$0x3FB4] =	sst s7  }
0x10: {  	[smem:$0x3FB5] =	sst s8  }
0x11: {  	[smem:$0x3FB6] =	sst s9;
	s0 =	simm.s32 @!p0 $0x0  }
0x12: {  	s1 =	sld [smem:$0x3F9C];
	s0 =	simm.s32 @p0 $0x1  }
0x13: {  	[smem:$0x3FB7] =	sst s0;
	s0 =	simm.s32 @!p1 $0x0  }
0x14: {  	s2 =	sld [smem:$0x3F9B];
	s0 =	simm.s32 @p1 $0x1  }
0x15: {  	[smem:$0x3FB8] =	sst s0;
	s0 =	simm.s32 @!p2 $0x0  }
0x16: {  	s3 =	sld [smem:$0x3FDB];
	s0 =	simm.s32 @p2 $0x1  }
0x17: {  	s4 =	simm.s32 $0x1BF5;
	[smem:$0x3FBA] =	sst s0  }
0x18: {  	s0 =	sld [smem:$0x3F9D];
	_ =	swait.ge [sflag:s4], $0x0  }
0x19: {  	s7 =	sld [smem:$0x3F9E]  }
0x1a: {  	s8 =	sadd.s32 $0xFFFFE003, lr  }
0x1b: {  	s9 =	sadd.s32 $0xFFFFFEF7, lr;
	s5 =	simm.s32 $0xFFFFFFFF;
	p2 =	slt.u32 s8, $0xFFFFF086  }
0x1c: {  	p1 =	slt.u32 s9, $0xF7A;
	s5 =	simm.s32 @!p2 $0x0  }
0x1d: {  	s5 =	simm.s32 @p1 $0x1;
	p0 =	seq.s32 s7, s2  }
0x1e: {  	s7 =	smul.u32 @!p0 $0xF7A, s2;
	p2 =	seq.s32 @!p0 s5, $0x0  }
0x1f: {  	s9 =	smul.u32 $0xF7A, s1;
	s8 =	simm.s32 @!p0 $0x1BF5;
	p2 =	por !p2, p0  }
0x20: {  	[sflag:s8] =	ssyncset.s32 @!p0 $0xFFFFF086;
	s6 =	sadd.s32 @!p0 s3, s7;
	s7 =	simm.s32 @!p0 $0x108  }
0x21: {  	s3 =	sadd.s32 s3, s9;
	s6 =	sadd.s32 @!p0 $0x88, s6;
	s7 =	simm.s32 @p2 $0x1082  }
0x22: {  	[simem:s7], [sflag:s8] =	dma.local @!p0 [hbm:s6], $0xF7A  }
0x23: {  	s9 =	sor.u32 $0xD0000000, s2;
	s6 =	simm.s32 $0x108;
	_ =	swait.ge @!p0 [sflag:s8], $0x0  }
0x24: {  	s3 =	sadd.s32 $0x88, s3;
	s6 =	simm.s32 @!p1 $0x1082;
	[sflag:s4] =	ssyncset.s32 $0xFFFFF086  }
0x25: {  	[simem:s6], [sflag:s4] =	dma.local [hbm:s3], $0xF7A  }
0x26: {  	[smem:$0x3F9E] =	sst s1;
	(tag) =	ssettag s2;
	_ =	strace s9  }
0x27: {  	s1 =	sld [smem:$0x3FAE]  }
0x28: {  	s2 =	sld [smem:$0x3FAF]  }
0x29: {  	s4 =	sld [smem:$0x3FB1]  }
0x2a: {  	p0 =	seq.s32 s5, $0x0;
	s5 =	sld [smem:$0x3FB2]  }
0x2b: {  	s6 =	sld [smem:$0x3FB3]  }
0x2c: {  	s7 =	sld [smem:$0x3FB4]  }
0x2d: {  	s3 =	simm.s32 $0x108;
	s8 =	sld [smem:$0x3FB5]  }
0x2e: {  	s3 =	simm.s32 @!p0 $0x1082;
	s9 =	sld [smem:$0x3FB6]  }
0x2f: {  	lr =	sadd.s32 s0, s3;
	s0 =	sld [smem:$0x3FAD]  }
0x30: {  	s3 =	sld [smem:$0x3FB0]  }
0x31: {  	[smem:$0x3FB9] =	sst s10  }
0x32: {  	s10 =	sld [smem:$0x3FB7];
	_ =	sdelay $0x3  }
0x33: {  	p0 =	seq.s32 s10, $0x1;
	s10 =	sld [smem:$0x3FB9];
	_ =	sdelay $0x3  }
0x34: {  	[smem:$0x3FB9] =	sst s10  }
0x35: {  	s10 =	sld [smem:$0x3FB8];
	_ =	sdelay $0x3  }
0x36: {  	p1 =	seq.s32 s10, $0x1;
	s10 =	sld [smem:$0x3FB9];
	_ =	sdelay $0x3  }
0x37: {  	[smem:$0x3FB9] =	sst s10  }
0x38: {  	s10 =	sld [smem:$0x3FBA]  }
0x39: {  	_ = 	snop;
	(pc) =	sbr.ind lr, $3  }
0x3a: {  	_ = 	snop  }
0x3b: {  	_ = 	snop  }
0x3c: {  	p2 =	seq.s32 s10, $0x1;
	s10 =	sld [smem:$0x3FB9]  }
0x3d: {  	_ =	shalt  }
0x3e: {  	_ =	shalt  }
0x3f: {  	_ =	shalt  }
0x40: {  	_ =	shalt  }
0x41: {  	_ =	shalt  }
0x42: {  	_ =	shalt  }
0x43: {  	_ =	shalt  }
0x44: {  	_ =	shalt  }
0x45: {  	_ =	shalt  }
0x46: {  	_ =	shalt  }
0x47: {  	_ =	shalt  }
0x48: {  	_ =	shalt  }
0x49: {  	_ =	shalt  }
0x4a: {  	_ =	shalt  }
0x4b: {  	_ =	shalt  }
0x4c: {  	_ =	shalt  }
0x4d: {  	_ =	shalt  }
0x4e: {  	_ =	shalt  }
0x4f: {  	_ =	shalt  }
0x50: {  	_ =	shalt  }
0x51: {  	_ =	shalt  }
0x52: {  	_ =	shalt  }
0x53: {  	_ =	shalt  }
0x54: {  	_ =	shalt  }
0x55: {  	_ =	shalt  }
0x56: {  	_ =	shalt  }
0x57: {  	_ =	shalt  }
0x58: {  	_ =	shalt  }
0x59: {  	_ =	shalt  }
0x5a: {  	_ =	shalt  }
0x5b: {  	_ =	shalt  }
0x5c: {  	_ =	shalt  }
0x5d: {  	_ =	shalt  }
0x5e: {  	_ =	shalt  }
0x5f: {  	_ =	shalt  }
0x60: {  	_ =	shalt  }
0x61: {  	_ =	shalt  }
0x62: {  	_ =	shalt  }
0x63: {  	_ =	shalt  }
0x64: {  	_ =	shalt  }
0x65: {  	_ =	shalt  }
0x66: {  	_ =	shalt  }
0x67: {  	_ =	shalt  }
0x68: {  	_ =	shalt  }
0x69: {  	_ =	shalt  }
0x6a: {  	_ =	shalt  }
0x6b: {  	_ =	shalt  }
0x6c: {  	_ =	shalt  }
0x6d: {  	_ =	shalt  }
0x6e: {  	_ =	shalt  }
0x6f: {  	_ =	shalt  }
0x70: {  	_ =	shalt  }
0x71: {  	_ =	shalt  }
0x72: {  	_ =	shalt  }
0x73: {  	_ =	shalt  }
0x74: {  	_ =	shalt  }
0x75: {  	_ =	shalt  }
0x76: {  	_ =	shalt  }
0x77: {  	_ =	shalt  }
0x78: {  	_ =	shalt  }
0x79: {  	_ =	shalt  }
0x7a: {  	_ =	shalt  }
0x7b: {  	_ =	shalt  }
0x7c: {  	_ =	shalt  }
0x7d: {  	_ =	shalt  }
0x7e: {  	_ =	shalt  }
0x7f: {  	_ =	shalt  }
0x80: {  	_ =	shalt  }
0x81: {  	_ =	shalt  }
0x82: {  	_ =	shalt  }
0x83: {  	_ =	shalt  }
0x84: {  	_ =	shalt  }
0x85: {  	_ =	shalt  }
0x86: {  	_ =	shalt  }
0x87: {  	_ =	shalt  }
.Lfunc_end0:
.L_simem_size_0:
called_computation_lowered:
.L_overlay_start_0:
0x88: {  	s2 =	sld [smem:$0x3FD9]  }
0x89: {  	s3 =	sld [smem:$0x3FFE];
	_ =	sdelay $0x1  }
0x8a: {  	s1 =	srdreg.scid  }
0x8b: {  	s0 =	sand.u32 $0x1, s1  }
0x8c: {  	s17 =	sshll.u32 s0, $0xA;
	s2 =	sadd.s32 s3, s2  }
0x8d: {  	s2 =	sadd.s32 s2, s17  }
0x8e: {  	[smem:$0x3FC5] =	sst s2  }
0x8f: {  	_ = 	snop  }
0x90: {  	s2 =	sld [smem:$0x3FC9]  }
0x91: {  	s18 =	sld [smem:$0x3FD0];
	(tm) =	ssettm $0x1  }
0x92: {  	s4 =	sld [smem:$0x3FFB];
	_ =	sdelay $0x3  }
0x93: {  	_ =	strace s4  }
0x94: {  	s4 =	sld [smem:$0x3FFC];
	_ =	sdelay $0x3  }
0x95: {  	_ =	strace s4  }
0x96: {  	s4 =	sld [smem:$0x3FFD];
	_ =	sdelay $0x3  }
0x97: {  	_ =	strace s4  }
0x98: {  	_ =	strace $0x8FFFFFFF  }
0x99: {  	s19 =	sld [smem:$0x3FDB];
	_ =	sdelay $0x1  }
0x9a: {  	s5 =	simm.s32 $_scs_section_size  }
0x9b: {  	s6 =	simm.s32 $_size__tile_overlayer_lowered;
	s7 =	simm.s32 $_tile_overlayer_lowered  }
0x9c: {  	s22 =	simm.s32 $0x1BFF;
	s21 =	sshll.u32 s7, $0x1;
	s4 =	sadd.s32 s5, s19  }
0x9d: {  	s8 =	simm.s32 $0x0;
	s20 =	sshll.u32 s6, $0x1;
	s6 =	sadd.s32 s21, s4  }
0x9e: {  	[timem:s8], [sflag:s22] =	dma.local [hbm:s6], s20  }
0x9f: {  	_ =	swait.ge [sflag:s22], s20  }
0xa0: {  	s5 =	ssub.s32 $0x0, s20;
	[sflag:s22] =	ssyncset.done $0x0  }
0xa1: {  	[sflag:s22] =	ssyncadd.s32 s5;
	_ =	sdelay $0x1  }
0xa2: {  	s23 =	simm.s32 $0x1B8B  }
0xa3: {  	_ =	swait.ge [sflag:s23], $0x1  }
0xa4: {  	[sflag:s23] =	ssyncset.done $0x0  }
0xa5: {  	s25 =	simm.s32 $0x1B8E;
	s24 =	sld [smem:$0x3FFE];
	[sflag:s23] =	ssyncadd.s32 $0xFFFFFFFF  }
0xa6: {  	s26 =	simm.s32 $execute0_lowered;
	[smem:$0x3FD2] =	sst s25  }
0xa7: {  	s6 =	sshll.u32 s26, $0x1;
	_ =	strace $0x80000046;
	[dreg:$0x1] =	wrdreg $0xFFFFFFFF  }
0xa8: {  	s28 =	simm.s32 $_size_execute0_lowered;
	s4 =	sadd.s32 s4, s6;
	[dreg:$0x0] =	wrdreg $0x0  }
0xa9: {  	s6 =	sshll.u32 s28, $0x1;
	[dreg:$0x2] =	wrdreg s4  }
0xaa: {  	[dreg:$0x3] =	wrdreg s6  }
0xab: {  	[dreg:$0x4] =	wrdreg $0xC0  }
0xac: {  	_ =	task [dreg:s8], $0x5FFFF  }
0xad: {  	[dreg:$0x1] =	wrdreg $0xFFFFFFFF  }
0xae: {  	[dreg:$0x0] =	wrdreg $0x60  }
0xaf: {  	[dreg:$0x2] =	wrdreg s2  }
0xb0: {  	[dreg:$0x3] =	wrdreg s24  }
0xb1: {  	[dreg:$0x4] =	wrdreg s18  }
0xb2: {  	[dreg:$0x5] =	wrdreg $0x9  }
0xb3: {  	_ =	task.clear_ibuf [dreg:s8], $0x6FFFF;
	_ =	strace $0x90000046  }
0xb4: {  	s29 =	simm.s32 $0x9;
	_ =	strace $0x80000048  }
0xb5: {  	_ =	swait.ge [sflag:s29], $0x1  }
0xb6: {  	[sflag:s29] =	ssyncadd.s32 $0xFFFFFFFF  }
0xb7: {  	_ =	strace $0x90000048  }
0xb8: {  	_ =	sfence  }
0xb9: {  	s30 =	sld [smem:$0x0];
	_ =	sdelay $0x2  }
0xba: {  	s31 =	sshll.u32 s1, $0xD;
	s1 =	sshrl.u32 s1, $0x2  }
0xbb: {  	s3 =	sand.u32 $0x4000, s31;
	s1 =	sadd.s32 s1, s30  }
0xbc: {  	s0 =	sor.u32 s3, s0;
	s1 =	sshll.u32 s1, $0x11  }
0xbd: {  	s0 =	sor.u32 s1, s0  }
0xbe: {  	s0 =	sadd.s32 $0x8F2B, s0  }
0xbf: {  	[sflag:s0] =	ssyncadd.remote.s32 $0x1  }
0xc0: {  	_ =	sfence.sel $0xFFFF  }
0xc1: {  	[dreg:$0x0] =	wrdreg $0xFFFFFFFF;
	(pc) =	sbr.abs _section_cstart, $3  }
0xc2: {  	[dreg:$0x1] =	wrdreg $0xFFFFFFFF  }
0xc3: {  	_ =	task.clear_ibuf [dreg:s8], $0x2FFFF;
	_ =	strace $0x9FFFFFFF  }
0xc4: {  	(tm) =	ssettm $0x7FFFFFFF  }
0xc5: {  	_ =	shalt  }
tec
execute0_lowered:
.L_overlay_start_1:
0x0: {  	(tag) =	ssettag $0x1  }
0x1: {  	s0 =	srdreg.scid;
	s1 =	rddreg [dreg:$0x0]  }
0x2: {  	s2 =	stileid.u32;
	s6 =	rddreg [dreg:$0x1]  }
0x3: {  	s3 =	rddreg [dreg:$0x2];
	s5 =	simm.s32 $0x0;
	s17 =	simm.s32 $0x9  }
0x4: {  	s18 =	simm.s32 $0x6000;
	s19 =	simm.s32 $0xC000;
	s20 =	simm.s32 $0x12000  }
0x5: {  	s21 =	simm.s32 $0x1;
	s22 =	simm.s32 $0x18000;
	s23 =	simm.s32 $0x2  }
0x6: {  	s28 =	simm.s32 $0x6;
	s0 =	sand.u32 $0x1, s0;
	s2 =	sshll.u32 s2, $0x1  }
0x7: {  	s29 =	simm.s32 $0x7;
	s30 =	simm.s32 $0x8;
	s2 =	sor.u32 s0, s2  }
0x8: {  	[smem:$0x7FF] =	sst s5;
	s0 =	ssub.s32 $0x2, s0;
	s4 =	smul.u32 $0x6000, s2  }
0x9: {  	s31 =	simm.s32 $0x0;
	_ =	strace $0x80000047;
	s7 =	sshrl.u32 s0, $0x1  }
0xa: {  	s0 =	ssub.s32 s0, s7;
	s2 =	sshrl.u32 s4, $0x3;
	s7 =	sadd.s32 $0xC0000, s4  }
0xb: {  	s8 =	sadd.s32 $0x180000, s4;
	s12 =	sor.u32 $0x300000, s4;
	s13 =	sadd.s32 $0x240000, s4  }
0xc: {  	s14 =	sadd.s32 $0x3C0000, s4;
	s15 =	sadd.s32 $0x480000, s4;
	s16 =	smax.u32 s0, $0x1  }
.Ltmp0:
0xd: {  	s6 =	sadd.s32 s2, s6;
	s2 =	sadd.s32 s1, s2;
	(pc) =	sbr.rel .LBB2_1-.Ltmp0, $4  }
0xe: {  	s24 =	sshrl.u32 s7, $0x3;
	s6 =	sadd.s32 $0xA00, s6;
	[dreg:$0x5] =	wrdreg s2  }
0xf: {  	s25 =	sshrl.u32 s8, $0x3;
	s2 =	sadd.s32 s1, s24;
	[dreg:$0x4] =	wrdreg s6  }
0x10: {  	s26 =	sadd.s32 s1, s25;
	s24 =	simm.s32 $0x3;
	[dreg:$0x6] =	wrdreg s2  }
0x11: {  	s25 =	simm.s32 $0x4;
	[dreg:$0x7] =	wrdreg s26;
	s26 =	simm.s32 $0x5  }
.LBB2_12:
0x12: {  	_ =	swait.ge [sflag:s26], $0x6000  }
0x13: {  	[sflag:s26] =	ssyncset.done $0x0  }
0x14: {  	[sflag:s26] =	ssyncadd.s32 $0xFFFFA000  }
0x15: {  	_ =	swait.ge [sflag:s28], $0x6000  }
0x16: {  	[sflag:s28] =	ssyncset.done $0x0  }
0x17: {  	s31 =	sadd.s32 $0x1, s31;
	[sflag:s28] =	ssyncadd.s32 $0xFFFFA000  }
0x18: {  	p0 =	sne.s32 s31, s16;
	_ =	swait.ge [sflag:s29], $0x6000  }
.Ltmp1:
0x19: {  	[sflag:s29] =	ssyncset.done $0x0;
	(pc) =	sbr.rel @!p0 .LBB2_13-.Ltmp1, $4  }
0x1a: {  	[sflag:s29] =	ssyncadd.s32 $0xFFFFA000  }
0x1b: {  	_ =	swait.ge [sflag:s30], $0x6000  }
0x1c: {  	[sflag:s30] =	ssyncset.done $0x0  }
0x1d: {  	[sflag:s30] =	ssyncadd.s32 $0xFFFFA000  }
.LBB2_1:
0x1e: {  	s0 =	rddreg [dreg:$0x4]  }
0x1f: {  	[tilespmem:s5], [sflag:$0x9] =	stream.linear.gather [hbm4b:s0+s5], $0x6000, $0x38;
	[tilespmem:$0x1E000] =	vst v63  }
0x20: {  	_ =	swait.ge [sflag:s17], $0x6000  }
0x21: {  	[sflag:s17] =	ssyncset.done $0x0  }
0x22: {  	s9 =	rddreg [dreg:$0x5];
	[sflag:s17] =	ssyncadd.s32 $0xFFFFA000  }
0x23: {  	[tilespmem:s18], [sflag:$0x1] =	stream.linear.gather [hbm4b:s9+s5], $0x6000, $0x38;
	[tilespmem:$0x1E000] =	vst v63  }
0x24: {  	s10 =	rddreg [dreg:$0x6]  }
0x25: {  	[tilespmem:s19], [sflag:$0x2] =	stream.linear.gather [hbm4b:s10+s5], $0x6000, $0x38;
	[tilespmem:$0x1E000] =	vst v63  }
0x26: {  	s2 =	simm.s32 $0x0;
	s11 =	rddreg [dreg:$0x7]  }
0x27: {  	[tilespmem:s20], [sflag:$0x3] =	stream.linear.gather [hbm4b:s11+s5], $0x6000, $0x38;
	[tilespmem:$0x1E000] =	vst v63  }
.LBB2_2:
0x28: {  	_ =	swait.ge [sflag:s21], $0x6000  }
0x29: {  	[sflag:s21] =	ssyncset.done $0x0  }
0x2a: {  	s6 =	simm.s32 $0x0;
	[sflag:s21] =	ssyncadd.s32 $0xFFFFA000  }
0x2b: {  	v0 =	vld [tilespmem:s6+$0x70]  }
0x2c: {  	v1 =	vld [tilespmem:s6+$0x0]  }
0x2d: {  	v2 =	vld [tilespmem:s6+$0x10]  }
0x2e: {  	v3 =	vld [tilespmem:s6+$0x20]  }
0x2f: {  	v4 =	vld [tilespmem:s6+$0x30]  }
0x30: {  	v5 =	vld [tilespmem:s6+$0x40]  }
0x31: {  	v6 =	vld [tilespmem:s6+$0x50]  }
0x32: {  	[tilespmem:s6+$0x6070] =	vst.add.f32.msk $0xffff, v0  }
0x33: {  	v0 =	vld [tilespmem:s6+$0x60]  }
0x34: {  	[tilespmem:s6+$0x6000] =	vst.add.f32.msk $0xffff, v1  }
0x35: {  	[tilespmem:s6+$0x6010] =	vst.add.f32.msk $0xffff, v2  }
0x36: {  	[tilespmem:s6+$0x6020] =	vst.add.f32.msk $0xffff, v3  }
0x37: {  	[tilespmem:s6+$0x6030] =	vst.add.f32.msk $0xffff, v4  }
0x38: {  	[tilespmem:s6+$0x6040] =	vst.add.f32.msk $0xffff, v5  }
0x39: {  	s0 =	simm.s32 $0x0;
	s9 =	simm.s32 $0x200;
	[tilespmem:s6+$0x6050] =	vst.add.f32.msk $0xffff, v6  }
.LBB2_3:
0x3a: {  	s0 =	sadd.s32 $0x80, s0;
	[tilespmem:s6+$0x6060] =	vst.add.f32.msk $0xffff, v0;
	s6 =	sshra.s32 s9, $0x2  }
0x3b: {  	v0 =	vld [tilespmem:s6+$0x70];
	p0 =	slt.u32 s0, $0x5F80  }
0x3c: {  	v1 =	vld [tilespmem:s6+$0x0]  }
0x3d: {  	v2 =	vld [tilespmem:s6+$0x10]  }
0x3e: {  	v3 =	vld [tilespmem:s6+$0x20]  }
0x3f: {  	v4 =	vld [tilespmem:s6+$0x30]  }
0x40: {  	[tilespmem:s6+$0x6070] =	vst.add.f32.msk $0xffff, v0  }
0x41: {  	v5 =	vld [tilespmem:s6+$0x40]  }
0x42: {  	v6 =	vld [tilespmem:s6+$0x50]  }
0x43: {  	v0 =	vld [tilespmem:s6+$0x60]  }
0x44: {  	[tilespmem:s6+$0x6000] =	vst.add.f32.msk $0xffff, v1  }
.Ltmp2:
0x45: {  	[tilespmem:s6+$0x6010] =	vst.add.f32.msk $0xffff, v2;
	(pc) =	sbr.rel @p0 .LBB2_3-.Ltmp2, $4  }
0x46: {  	[tilespmem:s6+$0x6020] =	vst.add.f32.msk $0xffff, v3  }
0x47: {  	[tilespmem:s6+$0x6030] =	vst.add.f32.msk $0xffff, v4  }
0x48: {  	[tilespmem:s6+$0x6040] =	vst.add.f32.msk $0xffff, v5  }
0x49: {  	s9 =	sadd.s32 $0x200, s9;
	[tilespmem:s6+$0x6050] =	vst.add.f32.msk $0xffff, v6  }
0x4a: {  	s0 =	smul.u32 $0x300000, s2;
	_ =	sdelay $0x1  }
0x4b: {  	s9 =	sor.u32 s4, s0  }
0x4c: {  	s9 =	sshrl.u32 s9, $0x3  }
0x4d: {  	[tilespmem:s6+$0x6060] =	vst.add.f32.msk $0xffff, v0;
	p0 =	seq.s32 s2, $0x0;
	s9 =	sadd.s32 s3, s9  }
0x4e: {  	[hbm4b:s9+s5] =	stream.linear.scatter [tilespmem:s18], [sflag:$0x5], $0x6000, $0x38;
	[tilespmem:$0x1E000] =	vst v63  }
0x4f: {  	s9 =	simm.s32 @!p0 $0x8  }
0x50: {  	s10 =	sadd.s32 s0, s13;
	_ =	swait.ge @!p0 [sflag:s9], $0x6000  }
0x51: {  	s6 =	sshrl.u32 s10, $0x3;
	[sflag:s9] =	ssyncset.done @!p0 $0x0  }
0x52: {  	s10 =	simm.s32 $0x0;
	s11 =	sadd.s32 s1, s6;
	[sflag:s9] =	ssyncadd.s32 @!p0 $0xFFFFA000  }
0x53: {  	[tilespmem:s22], [sflag:$0x4] =	stream.linear.gather [hbm4b:s11+s10], $0x6000, $0x38;
	[tilespmem:$0x1E000] =	vst v63  }
0x54: {  	_ =	swait.ge [sflag:s23], $0x6000  }
0x55: {  	[sflag:s23] =	ssyncset.done $0x0  }
0x56: {  	s9 =	simm.s32 $0x0;
	[sflag:s23] =	ssyncadd.s32 $0xFFFFA000  }
0x57: {  	v0 =	vld [tilespmem:s9+$0x70]  }
0x58: {  	v1 =	vld [tilespmem:s9+$0x0]  }
0x59: {  	v2 =	vld [tilespmem:s9+$0x10]  }
0x5a: {  	v3 =	vld [tilespmem:s9+$0x20]  }
0x5b: {  	v4 =	vld [tilespmem:s9+$0x30]  }
0x5c: {  	v5 =	vld [tilespmem:s9+$0x40]  }
0x5d: {  	v6 =	vld [tilespmem:s9+$0x50]  }
0x5e: {  	[tilespmem:s9+$0xC070] =	vst.add.f32.msk $0xffff, v0  }
0x5f: {  	v0 =	vld [tilespmem:s9+$0x60]  }
0x60: {  	[tilespmem:s9+$0xC000] =	vst.add.f32.msk $0xffff, v1  }
0x61: {  	[tilespmem:s9+$0xC010] =	vst.add.f32.msk $0xffff, v2  }
0x62: {  	[tilespmem:s9+$0xC020] =	vst.add.f32.msk $0xffff, v3  }
0x63: {  	[tilespmem:s9+$0xC030] =	vst.add.f32.msk $0xffff, v4  }
0x64: {  	[tilespmem:s9+$0xC040] =	vst.add.f32.msk $0xffff, v5  }
0x65: {  	s10 =	simm.s32 $0x0;
	s11 =	simm.s32 $0x200;
	[tilespmem:s9+$0xC050] =	vst.add.f32.msk $0xffff, v6  }
.LBB2_5:
0x66: {  	s10 =	sadd.s32 $0x80, s10;
	[tilespmem:s9+$0xC060] =	vst.add.f32.msk $0xffff, v0;
	s9 =	sshra.s32 s11, $0x2  }
0x67: {  	v0 =	vld [tilespmem:s9+$0x70];
	p0 =	slt.u32 s10, $0x5F80  }
0x68: {  	v1 =	vld [tilespmem:s9+$0x0]  }
0x69: {  	v2 =	vld [tilespmem:s9+$0x10]  }
0x6a: {  	v3 =	vld [tilespmem:s9+$0x20]  }
0x6b: {  	v4 =	vld [tilespmem:s9+$0x30]  }
0x6c: {  	[tilespmem:s9+$0xC070] =	vst.add.f32.msk $0xffff, v0  }
0x6d: {  	v5 =	vld [tilespmem:s9+$0x40]  }
0x6e: {  	v6 =	vld [tilespmem:s9+$0x50]  }
0x6f: {  	v0 =	vld [tilespmem:s9+$0x60]  }
0x70: {  	[tilespmem:s9+$0xC000] =	vst.add.f32.msk $0xffff, v1  }
.Ltmp3:
0x71: {  	[tilespmem:s9+$0xC010] =	vst.add.f32.msk $0xffff, v2;
	(pc) =	sbr.rel @p0 .LBB2_5-.Ltmp3, $4  }
0x72: {  	[tilespmem:s9+$0xC020] =	vst.add.f32.msk $0xffff, v3  }
0x73: {  	[tilespmem:s9+$0xC030] =	vst.add.f32.msk $0xffff, v4  }
0x74: {  	[tilespmem:s9+$0xC040] =	vst.add.f32.msk $0xffff, v5  }
0x75: {  	s11 =	sadd.s32 $0x200, s11;
	[tilespmem:s9+$0xC050] =	vst.add.f32.msk $0xffff, v6  }
0x76: {  	s10 =	sadd.s32 s0, s7  }
0x77: {  	p0 =	seq.s32 s2, $0x7;
	s10 =	sshrl.u32 s10, $0x3  }
0x78: {  	[tilespmem:s9+$0xC060] =	vst.add.f32.msk $0xffff, v0;
	s9 =	simm.s32 @!p0 $0x5;
	s11 =	sadd.s32 s3, s10  }
0x79: {  	[hbm4b:s11+s5] =	stream.linear.scatter [tilespmem:s19], [sflag:$0x6], $0x6000, $0x38;
	[tilespmem:$0x1E000] =	vst v63  }
0x7a: {  	_ =	swait.ge @!p0 [sflag:s9], $0x6000  }
0x7b: {  	s10 =	sadd.s32 @!p0 s12, s0;
	[sflag:s9] =	ssyncset.done @!p0 $0x0  }
0x7c: {  	[sflag:s9] =	ssyncadd.s32 @!p0 $0xFFFFA000;
	s9 =	sshrl.u32 @!p0 s10, $0x3  }
0x7d: {  	s11 =	simm.s32 @!p0 $0x6000;
	s10 =	simm.s32 @!p0 $0x0;
	s9 =	sadd.s32 @!p0 s1, s9  }
0x7e: {  	[tilespmem:s11], [sflag:$0x1] =	stream.linear.gather @!p0 [hbm4b:s9+s10], $0x6000, $0x38;
	[tilespmem:$0x1E000] =	vst v63  }
0x7f: {  	_ =	swait.ge [sflag:s24], $0x6000  }
0x80: {  	[sflag:s24] =	ssyncset.done $0x0  }
0x81: {  	s9 =	simm.s32 $0x0;
	[sflag:s24] =	ssyncadd.s32 $0xFFFFA000  }
0x82: {  	v0 =	vld [tilespmem:s9+$0x70]  }
0x83: {  	v1 =	vld [tilespmem:s9+$0x0]  }
0x84: {  	v2 =	vld [tilespmem:s9+$0x10]  }
0x85: {  	v3 =	vld [tilespmem:s9+$0x20]  }
0x86: {  	v4 =	vld [tilespmem:s9+$0x30]  }
0x87: {  	v5 =	vld [tilespmem:s9+$0x40]  }
0x88: {  	v6 =	vld [tilespmem:s9+$0x50]  }
0x89: {  	[tilespmem:s9+$0x12070] =	vst.add.f32.msk $0xffff, v0  }
0x8a: {  	v0 =	vld [tilespmem:s9+$0x60]  }
0x8b: {  	[tilespmem:s9+$0x12000] =	vst.add.f32.msk $0xffff, v1  }
0x8c: {  	[tilespmem:s9+$0x12010] =	vst.add.f32.msk $0xffff, v2  }
0x8d: {  	[tilespmem:s9+$0x12020] =	vst.add.f32.msk $0xffff, v3  }
0x8e: {  	[tilespmem:s9+$0x12030] =	vst.add.f32.msk $0xffff, v4  }
0x8f: {  	[tilespmem:s9+$0x12040] =	vst.add.f32.msk $0xffff, v5  }
0x90: {  	s10 =	simm.s32 $0x0;
	s11 =	simm.s32 $0x200;
	[tilespmem:s9+$0x12050] =	vst.add.f32.msk $0xffff, v6  }
.LBB2_7:
0x91: {  	s10 =	sadd.s32 $0x80, s10;
	[tilespmem:s9+$0x12060] =	vst.add.f32.msk $0xffff, v0;
	s9 =	sshra.s32 s11, $0x2  }
0x92: {  	v0 =	vld [tilespmem:s9+$0x70];
	p1 =	slt.u32 s10, $0x5F80  }
0x93: {  	v1 =	vld [tilespmem:s9+$0x0]  }
0x94: {  	v2 =	vld [tilespmem:s9+$0x10]  }
0x95: {  	v3 =	vld [tilespmem:s9+$0x20]  }
0x96: {  	v4 =	vld [tilespmem:s9+$0x30]  }
0x97: {  	[tilespmem:s9+$0x12070] =	vst.add.f32.msk $0xffff, v0  }
0x98: {  	v5 =	vld [tilespmem:s9+$0x40]  }
0x99: {  	v6 =	vld [tilespmem:s9+$0x50]  }
0x9a: {  	v0 =	vld [tilespmem:s9+$0x60]  }
0x9b: {  	[tilespmem:s9+$0x12000] =	vst.add.f32.msk $0xffff, v1  }
.Ltmp4:
0x9c: {  	[tilespmem:s9+$0x12010] =	vst.add.f32.msk $0xffff, v2;
	(pc) =	sbr.rel @p1 .LBB2_7-.Ltmp4, $4  }
0x9d: {  	[tilespmem:s9+$0x12020] =	vst.add.f32.msk $0xffff, v3  }
0x9e: {  	[tilespmem:s9+$0x12030] =	vst.add.f32.msk $0xffff, v4  }
0x9f: {  	[tilespmem:s9+$0x12040] =	vst.add.f32.msk $0xffff, v5  }
0xa0: {  	s11 =	sadd.s32 $0x200, s11;
	[tilespmem:s9+$0x12050] =	vst.add.f32.msk $0xffff, v6  }
0xa1: {  	s10 =	sadd.s32 s0, s8  }
0xa2: {  	s10 =	sshrl.u32 s10, $0x3  }
0xa3: {  	[tilespmem:s9+$0x12060] =	vst.add.f32.msk $0xffff, v0;
	s9 =	simm.s32 @!p0 $0x6;
	s11 =	sadd.s32 s3, s10  }
0xa4: {  	[hbm4b:s11+s5] =	stream.linear.scatter [tilespmem:s20], [sflag:$0x7], $0x6000, $0x38;
	[tilespmem:$0x1E000] =	vst v63  }
0xa5: {  	_ =	swait.ge @!p0 [sflag:s9], $0x6000  }
0xa6: {  	s10 =	sadd.s32 @!p0 s0, s14;
	[sflag:s9] =	ssyncset.done @!p0 $0x0  }
0xa7: {  	[sflag:s9] =	ssyncadd.s32 @!p0 $0xFFFFA000;
	s9 =	sshrl.u32 @!p0 s10, $0x3  }
0xa8: {  	s11 =	simm.s32 @!p0 $0xC000;
	s10 =	simm.s32 @!p0 $0x0;
	s9 =	sadd.s32 @!p0 s1, s9  }
0xa9: {  	[tilespmem:s11], [sflag:$0x2] =	stream.linear.gather @!p0 [hbm4b:s9+s10], $0x6000, $0x38;
	[tilespmem:$0x1E000] =	vst v63  }
0xaa: {  	_ =	swait.ge [sflag:s25], $0x6000  }
0xab: {  	[sflag:s25] =	ssyncset.done $0x0  }
0xac: {  	s9 =	simm.s32 $0x0;
	[sflag:s25] =	ssyncadd.s32 $0xFFFFA000  }
0xad: {  	v0 =	vld [tilespmem:s9+$0x70]  }
0xae: {  	v1 =	vld [tilespmem:s9+$0x0]  }
0xaf: {  	v2 =	vld [tilespmem:s9+$0x10]  }
0xb0: {  	v3 =	vld [tilespmem:s9+$0x20]  }
0xb1: {  	v4 =	vld [tilespmem:s9+$0x30]  }
0xb2: {  	v5 =	vld [tilespmem:s9+$0x40]  }
0xb3: {  	v6 =	vld [tilespmem:s9+$0x50]  }
0xb4: {  	[tilespmem:s9+$0x18070] =	vst.add.f32.msk $0xffff, v0  }
0xb5: {  	v0 =	vld [tilespmem:s9+$0x60]  }
0xb6: {  	[tilespmem:s9+$0x18000] =	vst.add.f32.msk $0xffff, v1  }
0xb7: {  	[tilespmem:s9+$0x18010] =	vst.add.f32.msk $0xffff, v2  }
0xb8: {  	[tilespmem:s9+$0x18020] =	vst.add.f32.msk $0xffff, v3  }
0xb9: {  	[tilespmem:s9+$0x18030] =	vst.add.f32.msk $0xffff, v4  }
0xba: {  	[tilespmem:s9+$0x18040] =	vst.add.f32.msk $0xffff, v5  }
0xbb: {  	s10 =	simm.s32 $0x0;
	s11 =	simm.s32 $0x200;
	[tilespmem:s9+$0x18050] =	vst.add.f32.msk $0xffff, v6  }
.LBB2_9:
0xbc: {  	s10 =	sadd.s32 $0x80, s10;
	[tilespmem:s9+$0x18060] =	vst.add.f32.msk $0xffff, v0;
	s9 =	sshra.s32 s11, $0x2  }
0xbd: {  	v0 =	vld [tilespmem:s9+$0x70];
	p1 =	slt.u32 s10, $0x5F80  }
0xbe: {  	v1 =	vld [tilespmem:s9+$0x0]  }
0xbf: {  	v2 =	vld [tilespmem:s9+$0x10]  }
0xc0: {  	v3 =	vld [tilespmem:s9+$0x20]  }
0xc1: {  	v4 =	vld [tilespmem:s9+$0x30]  }
0xc2: {  	[tilespmem:s9+$0x18070] =	vst.add.f32.msk $0xffff, v0  }
0xc3: {  	v5 =	vld [tilespmem:s9+$0x40]  }
0xc4: {  	v6 =	vld [tilespmem:s9+$0x50]  }
0xc5: {  	v0 =	vld [tilespmem:s9+$0x60]  }
0xc6: {  	[tilespmem:s9+$0x18000] =	vst.add.f32.msk $0xffff, v1  }
.Ltmp5:
0xc7: {  	[tilespmem:s9+$0x18010] =	vst.add.f32.msk $0xffff, v2;
	(pc) =	sbr.rel @p1 .LBB2_9-.Ltmp5, $4  }
0xc8: {  	[tilespmem:s9+$0x18020] =	vst.add.f32.msk $0xffff, v3  }
0xc9: {  	[tilespmem:s9+$0x18030] =	vst.add.f32.msk $0xffff, v4  }
0xca: {  	[tilespmem:s9+$0x18040] =	vst.add.f32.msk $0xffff, v5  }
0xcb: {  	s11 =	sadd.s32 $0x200, s11;
	[tilespmem:s9+$0x18050] =	vst.add.f32.msk $0xffff, v6  }
.Ltmp6:
0xcc: {  	(pc) =	sbr.rel @p0 .LBB2_12-.Ltmp6, $3  }
0xcd: {  	_ =	sdelay $0x1  }
0xce: {  	[tilespmem:s9+$0x18060] =	vst.add.f32.msk $0xffff, v0;
	s6 =	sadd.s32 s3, s6  }
0xcf: {  	[hbm4b:s6+s5] =	stream.linear.scatter [tilespmem:s22], [sflag:$0x8], $0x6000, $0x38;
	[tilespmem:$0x1E000] =	vst v63  }
.Ltmp7:
0xd0: {  	(pc) =	sbr.rel .LBB2_2-.Ltmp7, $4  }
0xd1: {  	_ =	swait.ge [sflag:s29], $0x6000;
	s0 =	sadd.s32 s0, s15  }
0xd2: {  	[sflag:s29] =	ssyncset.done $0x0;
	s0 =	sshrl.u32 s0, $0x3  }
0xd3: {  	s2 =	sadd.s32 $0x1, s2;
	[sflag:s29] =	ssyncadd.s32 $0xFFFFA000;
	s0 =	sadd.s32 s1, s0  }
0xd4: {  	[tilespmem:s20], [sflag:$0x3] =	stream.linear.gather [hbm4b:s0+s5], $0x6000, $0x38;
	[tilespmem:$0x1E000] =	vst v63  }
.LBB2_13:
0xd5: {  	_ =	sfence.sel $0x180000  }
0xd6: {  	[bflag:$0x0] =	sbarrier.arrive $0xFFFF  }
0xd7: {  	_ =	strace $0x90000047  }
0xd8: {  	s0 =	stileid.u32;
	[bflag:$0x2] =	sbarrier.arrive $0xFFFF  }
0xd9: {  	p0 =	sne.s32 s0, $0x0;
	s0 =	rddreg [dreg:$0x3]  }
0xda: {  	s0 =	sadd.s32 @!p0 $0x100000, s0  }
0xdb: {  	[sflag:s0] =	ssyncadd.tile.s32 @!p0 $0x1;
	_ =	shalt  }
.Lfunc_end2:
_tile_overlayer_lowered:
.L_overlay_start_2:
0xdc: {  	(tag) =	ssettag $0x2  }
0xdd: {  	s0 =	rddreg [dreg:$0x0];
	s2 =	stileid.u32  }
0xde: {  	s1 =	rddreg [dreg:$0x1];
	p0 =	sne.s32 s2, $0x0  }
0xdf: {  	s3 =	rddreg [dreg:$0x2];
	[bflag:$0x3] =	sbarrier.arrive $0xFFFF;
	s2 =	simm.s32 @!p0 $0x1C09  }
0xe0: {  	[timem:s3], [sflag:s2] =	dma.local @!p0 [hbm:s0], s1  }
0xe1: {  	s0 =	simm.s32 @!p0 $0x9  }
0xe2: {  	_ =	swait.ge @!p0 [sflag:s0], s1  }
0xe3: {  	s1 =	ssub.s32 @!p0 $0x0, s1;
	[sflag:s0] =	ssyncset.done @!p0 $0x0  }
0xe4: {  	[sflag:s0] =	ssyncadd.s32 @!p0 s1  }
0xe5: {  	[bflag:$0x3] =	sbarrier.arrive $0xFFFF  }
0xe6: {  	_ =	shalt  }

</sc_bundles>
